<compile_context>
chip_gen: v7x
topology: tpu7x:2x2x1
jax: 0.10.2.dev20260603
libtpu: 0.0.44.dev20260713+nightly
codegen_flags: <defaults>
</compile_context>

<pallas_src>
import functools

import jax
import jax.numpy as jnp
from jax import lax
from jax.experimental import pallas as pl
from jax.experimental.pallas import tpu as pltpu
from jax.experimental.pallas import tpu_sc as plsc

D = 1024
B = 4096
NROW = 71
NC, NS = 2, 16
NW = NC * NS
RPW = (B * NROW) // NW

NBLK = 38
GROWS = NBLK * 8 * 64
SMALL0 = 37 * 8 * 64

CH = 16
NB = 4
LAG = 2
NCHUNK = RPW // CH
NGRP = NCHUNK // NB


def _build_body(pair_ref, add_ref, out_ref):
    out_ref[...] = pair_ref[...] + add_ref[...]


def _build_table(pair_ext, addend3):
    out3 = pl.pallas_call(
        _build_body,
        grid=(NBLK,),
        in_specs=[
            pl.BlockSpec((8, 1, D), lambda k: (k, 0, 0)),
            pl.BlockSpec((8, 64, D), lambda k: (jnp.where(k < 37, 0, 1), 0, 0)),
        ],
        out_specs=pl.BlockSpec((8, 64, D), lambda k: (k, 0, 0)),
        out_shape=jax.ShapeDtypeStruct((NBLK * 8, 64, D), jnp.float32),
    )(pair_ext.reshape(NBLK * 8, 1, D), addend3)
    return out3.reshape(GROWS, D)


def _sc_body(G2, idxs, out, idx_v, bufs, gsem, wsem):
    wid = lax.axis_index("s") * NC + lax.axis_index("c")
    row0 = wid * RPW
    pltpu.sync_copy(idxs.at[pl.ds(row0, RPW)], idx_v)

    def gather(i, s):
        off = pl.multiple_of(i * CH, CH)
        return pltpu.make_async_copy(
            G2.at[idx_v.at[pl.ds(off, CH)]], bufs.at[s], gsem.at[s])

    def write(i, s):
        off = pl.multiple_of(row0 + i * CH, CH)
        return pltpu.make_async_copy(
            bufs.at[s], out.at[pl.ds(off, CH)], wsem.at[s])

    for s in range(LAG):
        gather(s, s).start()

    def group(g, _):
        i0 = g * NB
        for s in range(NB):
            i = i0 + s
            s2 = (s + LAG) % NB

            @pl.when(i + LAG < NCHUNK)
            def _():
                @pl.when(i + LAG >= NB)
                def _():
                    write(i + LAG - NB, s2).wait()
                gather(i + LAG, s2).start()

            gather(i, s).wait()
            write(i, s).start()
        return 0

    lax.fori_loop(0, NGRP, group, 0)
    for s in range(NB):
        write(NCHUNK - NB + s, s).wait()


@functools.partial(
    pl.kernel,
    out_type=jax.ShapeDtypeStruct((NROW * B, D), jnp.float32),
    mesh=plsc.VectorSubcoreMesh(
        core_axis_name="c", subcore_axis_name="s", num_cores=NC, num_subcores=NS
    ),
    compiler_params=pltpu.CompilerParams(use_tc_tiling_on_sc=True),
    scratch_types=[
        pltpu.VMEM((RPW,), jnp.int32),
        pltpu.VMEM((NB, CH, D), jnp.float32),
        pltpu.SemaphoreType.DMA((NB,)),
        pltpu.SemaphoreType.DMA((NB,)),
    ],
)
def _sc_embed(G2, idxs, out, idx_v, bufs, gsem, wsem):
    _sc_body(G2, idxs, out, idx_v, bufs, gsem, wsem)


def kernel(fen, move, rank_emb, file_emb, fen_emb, move_emb, abs_emb):
    pos = (rank_emb + file_emb).reshape(64, D)
    pair = 0.5 * (fen_emb[:, None, :] + fen_emb[None, :, :]).reshape(289, D)
    boardc = 0.5 * pos + abs_emb[:64]
    flag_tab = (fen_emb[None, :, :] + abs_emb[64:69][:, None, :]).reshape(85, D)
    mv_tab = (
        0.58 * (pos[None, :, :] + move_emb[:, None, :])
        + abs_emb[69:71][:, None, :]
    ).reshape(128, D)
    pair_ext = jnp.concatenate(
        [pair, jnp.zeros((NBLK * 8 - 289, D), jnp.float32)])
    small_pad = jnp.concatenate(
        [flag_tab, mv_tab, jnp.zeros((512 - 85 - 128, D), jnp.float32)])
    addend3 = jnp.stack(
        [jnp.broadcast_to(boardc, (8, 64, D)), small_pad.reshape(8, 64, D)]
    ).reshape(16, 64, D)
    G2 = _build_table(pair_ext, addend3)

    iota64 = jnp.arange(64, dtype=jnp.int32)
    idx_board = (fen[:, :64] * 17 + fen[:, 64:128]) * 64 + iota64
    idx_flag = SMALL0 + jnp.arange(5, dtype=jnp.int32) * 17 + fen[:, 128:133]
    idx_mv = SMALL0 + 85 + jnp.arange(2, dtype=jnp.int32) * 64 + move
    idx = jnp.concatenate(
        [idx_board, idx_flag, idx_mv], axis=1).T.reshape(-1)

    out = _sc_embed(G2, idx)
    return out.reshape(NROW, B, D).transpose(1, 0, 2)

# --- scband reference (transcript-rebuilt; emitter-appended) ---
"""Pipeline reference for scband-embed-46110768890142 (READ-ONLY COPY).

The authoritative reference and input builder live on the scoring server;
editing this copy changes nothing except your own understanding.
"""

import jax, jax.numpy as jnp
import numpy as np

D_EMB = 1024
SCALE = 0.02
BATCH = 4096


def setup_inputs(seed: int = 0) -> dict:
    key = jax.random.key(seed)
    ks = jax.random.split(key, 7)
    fen = jax.random.randint(ks[0], (BATCH, 133), 0, 17, dtype=jnp.int32)
    move = jax.random.randint(ks[1], (BATCH, 2), 0, 64, dtype=jnp.int32)
    rank_emb = jax.random.normal(ks[2], (8, 1, D_EMB), dtype=jnp.float32) * SCALE
    file_emb = jax.random.normal(ks[3], (1, 8, D_EMB), dtype=jnp.float32) * SCALE
    fen_emb = jax.random.normal(ks[4], (17, D_EMB), dtype=jnp.float32) * SCALE
    move_emb = jax.random.normal(ks[5], (2, D_EMB), dtype=jnp.float32) * SCALE
    abs_emb = jax.random.normal(ks[6], (71, D_EMB), dtype=jnp.float32) * SCALE
    return {
        "fen": fen,
        "move": move,
        "rank_emb": rank_emb,
        "file_emb": file_emb,
        "fen_emb": fen_emb,
        "move_emb": move_emb,
        "abs_emb": abs_emb,
    }


def reference(fen, move, rank_emb, file_emb, fen_emb, move_emb, abs_emb):
    pos_emb = (rank_emb + file_emb).reshape(64, D_EMB)
    mv = pos_emb[move] + move_emb  # [B, 2, D]
    mv = mv * 0.58
    f = fen_emb[fen]  # [B, 133, D]
    pieces = f[:, :64]
    colors = f[:, 64:128]
    flags = f[:, 128:]
    board = 0.5 * (pieces + colors + pos_emb)
    x = jnp.concatenate([board, flags, mv], axis=1)  # [B, 71, D]
    x = x + abs_emb
    return x

if __name__ == "__main__":
    import jax
    _d = setup_inputs()
    print(jax.jit(kernel)(*tuple(_d.values())))

</pallas_src>

<mosaic_0001>
#map = affine_map<(d0, d1) -> (0, 0)>
#map1 = affine_map<(d0, d1) -> (0)>
module attributes {stable_mosaic.version = 14 : i64} {
  func.func @_sc_embed(%arg0: i32, %arg1: i32, %arg2: memref<19456x1024xf32, #tpu.memory_space<hbm>>, %arg3: memref<290816xi32, #tpu.memory_space<hbm>>, %arg4: memref<290816x1024xf32, #tpu.memory_space<hbm>>, %arg5: memref<9088xi32, #tpu.memory_space<vmem>>, %arg6: memref<4x16x1024xf32, #tpu.memory_space<vmem>>, %arg7: memref<4x!tpu.dma_semaphore, #tpu.memory_space<semaphore_mem>>, %arg8: memref<4x!tpu.dma_semaphore, #tpu.memory_space<semaphore_mem>>) attributes {dimension_semantics = [#tpu.dimension_semantics<core_parallel>, #tpu.dimension_semantics<subcore_parallel>], iteration_bounds = array<i64: 2, 16>, scalar_prefetch = 0 : i64, scratch_operands = 4 : i64, tpu.core_type = #tpu.core_type<sc_vector_subcore>, window_params = [{transform_indices = #map}, {transform_indices = #map1}, {transform_indices = #map}]} {
    %mul3A = arith.constant 2 : i32
    %mul3A_0 = arith.muli %arg1, %mul3A : i32
    %add3A = arith.addi %mul3A_0, %arg0 : i32
    %mul3A_1 = arith.constant 9088 : i32
    %mul3A_2 = arith.muli %add3A, %mul3A_1 : i32
    "tpu.region"() ({
      %run_scoped3A = tpu.sem_alloc : memref<!tpu.dma_semaphore, #tpu.memory_space<semaphore_mem>>
      %dma_start3A_110 = tpu.memref_slice %arg3[%mul3A_2] : memref<290816xi32, #tpu.memory_space<hbm>> -> memref<9088xi32, #tpu.memory_space<hbm>>
      %dma_start3A_111 = tpu.memref_slice %arg3[%mul3A_2] : memref<290816xi32, #tpu.memory_space<hbm>> -> memref<9088xi32, #tpu.memory_space<hbm>>
      tpu.enqueue_dma source(%dma_start3A_111 : memref<9088xi32, #tpu.memory_space<hbm>>) target(%arg5 : memref<9088xi32, #tpu.memory_space<vmem>>) target_semaphore(%run_scoped3A : memref<!tpu.dma_semaphore, #tpu.memory_space<semaphore_mem>>)
      %dma_wait3A_112 = tpu.memref_slice %arg3[%mul3A_2] : memref<290816xi32, #tpu.memory_space<hbm>> -> memref<9088xi32, #tpu.memory_space<hbm>>
      %dma_wait3A_113 = tpu.memref_slice %arg3[%mul3A_2] : memref<290816xi32, #tpu.memory_space<hbm>> -> memref<9088xi32, #tpu.memory_space<hbm>>
      tpu.wait_dma2 semaphore(%run_scoped3A : memref<!tpu.dma_semaphore, #tpu.memory_space<semaphore_mem>>) src(%dma_wait3A_113 : memref<9088xi32, #tpu.memory_space<hbm>>) dst(%arg5 : memref<9088xi32, #tpu.memory_space<vmem>>)
      tpu.yield
    }) : () -> ()
    %multiple_of3A = arith.constant 0 : i32
    %multiple_of3A_3 = tpu.assume_multiple %multiple_of3A, 16 : i32
    %dma_start3A = arith.constant 0 : i32
    %dma_start3A_4 = arith.constant 0 : i32
    %dma_start3A_5 = arith.constant 0 : i32
    %dma_start3A_6 = arith.constant 0 : i32
    %dma_start3A_7 = tpu.memref_slice %arg6[%dma_start3A, %dma_start3A_5, %dma_start3A_6] : memref<4x16x1024xf32, #tpu.memory_space<vmem>> -> memref<1x16x1024xf32, #tpu.memory_space<vmem>>
    %dma_start3A_8 = tpu.memref_squeeze %dma_start3A_7 : memref<1x16x1024xf32, #tpu.memory_space<vmem>> -> memref<16x1024xf32, #tpu.memory_space<vmem>>
    %dma_start3A_9 = tpu.memref_slice %arg5[%multiple_of3A_3] : memref<9088xi32, #tpu.memory_space<vmem>> -> memref<16xi32, #tpu.memory_space<vmem>>
    %dma_start3A_10 = arith.constant 0 : i32
    %dma_start3A_11 = arith.constant 0 : i32
    %dma_start3A_12 = tpu.memref_slice %arg2[%dma_start3A_10, %dma_start3A_11] : memref<19456x1024xf32, #tpu.memory_space<hbm>> -> memref<19456x1024xf32, #tpu.memory_space<hbm>>
    %dma_start3A_13 = tpu.memref_slice %arg7[%dma_start3A_4] : memref<4x!tpu.dma_semaphore, #tpu.memory_space<semaphore_mem>> -> memref<1x!tpu.dma_semaphore, #tpu.memory_space<semaphore_mem>>
    %dma_start3A_14 = tpu.memref_squeeze %dma_start3A_13 : memref<1x!tpu.dma_semaphore, #tpu.memory_space<semaphore_mem>> -> memref<!tpu.dma_semaphore, #tpu.memory_space<semaphore_mem>>
    tpu.enqueue_indirect_dma source(%dma_start3A_12 : memref<19456x1024xf32, #tpu.memory_space<hbm>>) target(%dma_start3A_8 : memref<16x1024xf32, #tpu.memory_space<vmem>>) offsets(%dma_start3A_9 : memref<16xi32, #tpu.memory_space<vmem>>) semaphore(%dma_start3A_14 : memref<!tpu.dma_semaphore, #tpu.memory_space<semaphore_mem>>)
    %multiple_of3A_15 = arith.constant 16 : i32
    %multiple_of3A_16 = tpu.assume_multiple %multiple_of3A_15, 16 : i32
    %dma_start3A_17 = arith.constant 1 : i32
    %dma_start3A_18 = arith.constant 1 : i32
    %dma_start3A_19 = arith.constant 0 : i32
    %dma_start3A_20 = arith.constant 0 : i32
    %dma_start3A_21 = tpu.memref_slice %arg6[%dma_start3A_17, %dma_start3A_19, %dma_start3A_20] : memref<4x16x1024xf32, #tpu.memory_space<vmem>> -> memref<1x16x1024xf32, #tpu.memory_space<vmem>>
    %dma_start3A_22 = tpu.memref_squeeze %dma_start3A_21 : memref<1x16x1024xf32, #tpu.memory_space<vmem>> -> memref<16x1024xf32, #tpu.memory_space<vmem>>
    %dma_start3A_23 = tpu.memref_slice %arg5[%multiple_of3A_16] : memref<9088xi32, #tpu.memory_space<vmem>> -> memref<16xi32, #tpu.memory_space<vmem>>
    %dma_start3A_24 = arith.constant 0 : i32
    %dma_start3A_25 = arith.constant 0 : i32
    %dma_start3A_26 = tpu.memref_slice %arg2[%dma_start3A_24, %dma_start3A_25] : memref<19456x1024xf32, #tpu.memory_space<hbm>> -> memref<19456x1024xf32, #tpu.memory_space<hbm>>
    %dma_start3A_27 = tpu.memref_slice %arg7[%dma_start3A_18] : memref<4x!tpu.dma_semaphore, #tpu.memory_space<semaphore_mem>> -> memref<1x!tpu.dma_semaphore, #tpu.memory_space<semaphore_mem>>
    %dma_start3A_28 = tpu.memref_squeeze %dma_start3A_27 : memref<1x!tpu.dma_semaphore, #tpu.memory_space<semaphore_mem>> -> memref<!tpu.dma_semaphore, #tpu.memory_space<semaphore_mem>>
    tpu.enqueue_indirect_dma source(%dma_start3A_26 : memref<19456x1024xf32, #tpu.memory_space<hbm>>) target(%dma_start3A_22 : memref<16x1024xf32, #tpu.memory_space<vmem>>) offsets(%dma_start3A_23 : memref<16xi32, #tpu.memory_space<vmem>>) semaphore(%dma_start3A_28 : memref<!tpu.dma_semaphore, #tpu.memory_space<semaphore_mem>>)
    %scan3A = arith.constant 0 : i32
    %scan3A_29 = arith.constant 0 : i32
    %scan3A_30 = arith.constant 142 : i32
    %scan3A_31 = arith.addi %scan3A_29, %scan3A_30 : i32
    %scan3A_32 = arith.constant 1 : i32
    %scan3A_33 = scf.for %scan3A_110 = %scan3A_29 to %scan3A_31 step %scan3A_32 iter_args(%scan3A_111 = %scan3A) -> (i32)  : i32 {
      %mul3A_112 = arith.constant 4 : i32
      %mul3A_113 = arith.muli %scan3A_110, %mul3A_112 : i32
      %add3A_114 = arith.constant 0 : i32
      %add3A_115 = arith.addi %mul3A_113, %add3A_114 : i32
      %add3A_116 = arith.constant 2 : i32
      %add3A_117 = arith.addi %add3A_115, %add3A_116 : i32
      %lt3A = arith.constant 568 : i32
      %lt3A_118 = arith.cmpi slt, %add3A_117, %lt3A : i32
      %convert_element_type3A = arith.extui %lt3A_118 : i1 to i32
      %cond3A = arith.constant 0 : i32
      %cond3A_119 = arith.cmpi ne, %convert_element_type3A, %cond3A : i32
      scf.if %cond3A_119 {
        %add3A_288 = arith.constant 2 : i32
        %add3A_289 = arith.addi %add3A_115, %add3A_288 : i32
        %ge3A = arith.constant 4 : i32
        %ge3A_290 = arith.cmpi sge, %add3A_289, %ge3A : i32
        %convert_element_type3A_291 = arith.extui %ge3A_290 : i1 to i32
        %cond3A_292 = arith.constant 0 : i32
        %cond3A_293 = arith.cmpi ne, %convert_element_type3A_291, %cond3A_292 : i32
        scf.if %cond3A_293 {
          %add3A_311 = arith.constant 2 : i32
          %add3A_312 = arith.addi %add3A_115, %add3A_311 : i32
          %sub3A = arith.constant 4 : i32
          %sub3A_313 = arith.subi %add3A_312, %sub3A : i32
          %mul3A_314 = arith.constant 16 : i32
          %mul3A_315 = arith.muli %sub3A_313, %mul3A_314 : i32
          %add3A_316 = arith.addi %mul3A_2, %mul3A_315 : i32
          %multiple_of3A_317 = tpu.assume_multiple %add3A_316, 16 : i32
          %dma_wait3A_318 = arith.constant 2 : i32
          %dma_wait3A_319 = arith.constant 2 : i32
          %dma_wait3A_320 = arith.constant 0 : i32
          %dma_wait3A_321 = arith.constant 0 : i32
          %dma_wait3A_322 = tpu.memref_slice %arg6[%dma_wait3A_318, %dma_wait3A_320, %dma_wait3A_321] : memref<4x16x1024xf32, #tpu.memory_space<vmem>> -> memref<1x16x1024xf32, #tpu.memory_space<vmem>>
          %dma_wait3A_323 = tpu.memref_squeeze %dma_wait3A_322 : memref<1x16x1024xf32, #tpu.memory_space<vmem>> -> memref<16x1024xf32, #tpu.memory_space<vmem>>
          %dma_wait3A_324 = arith.constant 0 : i32
          %dma_wait3A_325 = tpu.memref_slice %arg4[%multiple_of3A_317, %dma_wait3A_324] : memref<290816x1024xf32, #tpu.memory_space<hbm>> -> memref<16x1024xf32, #tpu.memory_space<hbm>>
          %dma_wait3A_326 = tpu.memref_slice %arg8[%dma_wait3A_319] : memref<4x!tpu.dma_semaphore, #tpu.memory_space<semaphore_mem>> -> memref<1x!tpu.dma_semaphore, #tpu.memory_space<semaphore_mem>>
          %dma_wait3A_327 = tpu.memref_squeeze %dma_wait3A_326 : memref<1x!tpu.dma_semaphore, #tpu.memory_space<semaphore_mem>> -> memref<!tpu.dma_semaphore, #tpu.memory_space<semaphore_mem>>
          %dma_wait3A_328 = arith.constant 0 : i32
          %dma_wait3A_329 = tpu.memref_slice %arg4[%multiple_of3A_317, %dma_wait3A_328] : memref<290816x1024xf32, #tpu.memory_space<hbm>> -> memref<16x1024xf32, #tpu.memory_space<hbm>>
          %dma_wait3A_330 = arith.constant 0 : i32
          %dma_wait3A_331 = arith.constant 0 : i32
          %dma_wait3A_332 = tpu.memref_slice %arg6[%dma_wait3A_318, %dma_wait3A_330, %dma_wait3A_331] : memref<4x16x1024xf32, #tpu.memory_space<vmem>> -> memref<1x16x1024xf32, #tpu.memory_space<vmem>>
          %dma_wait3A_333 = tpu.memref_squeeze %dma_wait3A_332 : memref<1x16x1024xf32, #tpu.memory_space<vmem>> -> memref<16x1024xf32, #tpu.memory_space<vmem>>
          tpu.wait_dma2 semaphore(%dma_wait3A_327 : memref<!tpu.dma_semaphore, #tpu.memory_space<semaphore_mem>>) src(%dma_wait3A_333 : memref<16x1024xf32, #tpu.memory_space<vmem>>) dst(%dma_wait3A_329 : memref<16x1024xf32, #tpu.memory_space<hbm>>)
        } else {
        }
        %add3A_294 = arith.constant 2 : i32
        %add3A_295 = arith.addi %add3A_115, %add3A_294 : i32
        %mul3A_296 = arith.constant 16 : i32
        %mul3A_297 = arith.muli %add3A_295, %mul3A_296 : i32
        %multiple_of3A_298 = tpu.assume_multiple %mul3A_297, 16 : i32
        %dma_start3A_299 = arith.constant 2 : i32
        %dma_start3A_300 = arith.constant 2 : i32
        %dma_start3A_301 = arith.constant 0 : i32
        %dma_start3A_302 = arith.constant 0 : i32
        %dma_start3A_303 = tpu.memref_slice %arg6[%dma_start3A_299, %dma_start3A_301, %dma_start3A_302] : memref<4x16x1024xf32, #tpu.memory_space<vmem>> -> memref<1x16x1024xf32, #tpu.memory_space<vmem>>
        %dma_start3A_304 = tpu.memref_squeeze %dma_start3A_303 : memref<1x16x1024xf32, #tpu.memory_space<vmem>> -> memref<16x1024xf32, #tpu.memory_space<vmem>>
        %dma_start3A_305 = tpu.memref_slice %arg5[%multiple_of3A_298] : memref<9088xi32, #tpu.memory_space<vmem>> -> memref<16xi32, #tpu.memory_space<vmem>>
        %dma_start3A_306 = arith.constant 0 : i32
        %dma_start3A_307 = arith.constant 0 : i32
        %dma_start3A_308 = tpu.memref_slice %arg2[%dma_start3A_306, %dma_start3A_307] : memref<19456x1024xf32, #tpu.memory_space<hbm>> -> memref<19456x1024xf32, #tpu.memory_space<hbm>>
        %dma_start3A_309 = tpu.memref_slice %arg7[%dma_start3A_300] : memref<4x!tpu.dma_semaphore, #tpu.memory_space<semaphore_mem>> -> memref<1x!tpu.dma_semaphore, #tpu.memory_space<semaphore_mem>>
        %dma_start3A_310 = tpu.memref_squeeze %dma_start3A_309 : memref<1x!tpu.dma_semaphore, #tpu.memory_space<semaphore_mem>> -> memref<!tpu.dma_semaphore, #tpu.memory_space<semaphore_mem>>
        tpu.enqueue_indirect_dma source(%dma_start3A_308 : memref<19456x1024xf32, #tpu.memory_space<hbm>>) target(%dma_start3A_304 : memref<16x1024xf32, #tpu.memory_space<vmem>>) offsets(%dma_start3A_305 : memref<16xi32, #tpu.memory_space<vmem>>) semaphore(%dma_start3A_310 : memref<!tpu.dma_semaphore, #tpu.memory_space<semaphore_mem>>)
      } else {
      }
      %mul3A_120 = arith.constant 16 : i32
      %mul3A_121 = arith.muli %add3A_115, %mul3A_120 : i32
      %multiple_of3A_122 = tpu.assume_multiple %mul3A_121, 16 : i32
      %dma_wait3A_123 = arith.constant 0 : i32
      %dma_wait3A_124 = arith.constant 0 : i32
      %dma_wait3A_125 = arith.constant 0 : i32
      %dma_wait3A_126 = arith.constant 0 : i32
      %dma_wait3A_127 = tpu.memref_slice %arg6[%dma_wait3A_123, %dma_wait3A_125, %dma_wait3A_126] : memref<4x16x1024xf32, #tpu.memory_space<vmem>> -> memref<1x16x1024xf32, #tpu.memory_space<vmem>>
      %dma_wait3A_128 = tpu.memref_squeeze %dma_wait3A_127 : memref<1x16x1024xf32, #tpu.memory_space<vmem>> -> memref<16x1024xf32, #tpu.memory_space<vmem>>
      %dma_wait3A_129 = tpu.memref_slice %arg5[%multiple_of3A_122] : memref<9088xi32, #tpu.memory_space<vmem>> -> memref<16xi32, #tpu.memory_space<vmem>>
      %dma_wait3A_130 = arith.constant 0 : i32
      %dma_wait3A_131 = arith.constant 0 : i32
      %dma_wait3A_132 = tpu.memref_slice %arg2[%dma_wait3A_130, %dma_wait3A_131] : memref<19456x1024xf32, #tpu.memory_space<hbm>> -> memref<19456x1024xf32, #tpu.memory_space<hbm>>
      %dma_wait3A_133 = tpu.memref_slice %arg7[%dma_wait3A_124] : memref<4x!tpu.dma_semaphore, #tpu.memory_space<semaphore_mem>> -> memref<1x!tpu.dma_semaphore, #tpu.memory_space<semaphore_mem>>
      %dma_wait3A_134 = tpu.memref_squeeze %dma_wait3A_133 : memref<1x!tpu.dma_semaphore, #tpu.memory_space<semaphore_mem>> -> memref<!tpu.dma_semaphore, #tpu.memory_space<semaphore_mem>>
      tpu.wait_indirect_dma semaphore(%dma_wait3A_134 : memref<!tpu.dma_semaphore, #tpu.memory_space<semaphore_mem>>) src(%dma_wait3A_132 : memref<19456x1024xf32, #tpu.memory_space<hbm>>) dst(%dma_wait3A_128 : memref<16x1024xf32, #tpu.memory_space<vmem>>)
      %mul3A_135 = arith.constant 16 : i32
      %mul3A_136 = arith.muli %add3A_115, %mul3A_135 : i32
      %add3A_137 = arith.addi %mul3A_2, %mul3A_136 : i32
      %multiple_of3A_138 = tpu.assume_multiple %add3A_137, 16 : i32
      %dma_start3A_139 = arith.constant 0 : i32
      %dma_start3A_140 = arith.constant 0 : i32
      %dma_start3A_141 = arith.constant 0 : i32
      %dma_start3A_142 = arith.constant 0 : i32
      %dma_start3A_143 = tpu.memref_slice %arg6[%dma_start3A_139, %dma_start3A_141, %dma_start3A_142] : memref<4x16x1024xf32, #tpu.memory_space<vmem>> -> memref<1x16x1024xf32, #tpu.memory_space<vmem>>
      %dma_start3A_144 = tpu.memref_squeeze %dma_start3A_143 : memref<1x16x1024xf32, #tpu.memory_space<vmem>> -> memref<16x1024xf32, #tpu.memory_space<vmem>>
      %dma_start3A_145 = arith.constant 0 : i32
      %dma_start3A_146 = tpu.memref_slice %arg4[%multiple_of3A_138, %dma_start3A_145] : memref<290816x1024xf32, #tpu.memory_space<hbm>> -> memref<16x1024xf32, #tpu.memory_space<hbm>>
      %dma_start3A_147 = tpu.memref_slice %arg8[%dma_start3A_140] : memref<4x!tpu.dma_semaphore, #tpu.memory_space<semaphore_mem>> -> memref<1x!tpu.dma_semaphore, #tpu.memory_space<semaphore_mem>>
      %dma_start3A_148 = tpu.memref_squeeze %dma_start3A_147 : memref<1x!tpu.dma_semaphore, #tpu.memory_space<semaphore_mem>> -> memref<!tpu.dma_semaphore, #tpu.memory_space<semaphore_mem>>
      %dma_start3A_149 = arith.constant 0 : i32
      %dma_start3A_150 = tpu.memref_slice %arg4[%multiple_of3A_138, %dma_start3A_149] : memref<290816x1024xf32, #tpu.memory_space<hbm>> -> memref<16x1024xf32, #tpu.memory_space<hbm>>
      %dma_start3A_151 = arith.constant 0 : i32
      %dma_start3A_152 = arith.constant 0 : i32
      %dma_start3A_153 = tpu.memref_slice %arg6[%dma_start3A_139, %dma_start3A_151, %dma_start3A_152] : memref<4x16x1024xf32, #tpu.memory_space<vmem>> -> memref<1x16x1024xf32, #tpu.memory_space<vmem>>
      %dma_start3A_154 = tpu.memref_squeeze %dma_start3A_153 : memref<1x16x1024xf32, #tpu.memory_space<vmem>> -> memref<16x1024xf32, #tpu.memory_space<vmem>>
      tpu.enqueue_dma source(%dma_start3A_154 : memref<16x1024xf32, #tpu.memory_space<vmem>>) target(%dma_start3A_150 : memref<16x1024xf32, #tpu.memory_space<hbm>>) target_semaphore(%dma_start3A_148 : memref<!tpu.dma_semaphore, #tpu.memory_space<semaphore_mem>>)
      %add3A_155 = arith.constant 1 : i32
      %add3A_156 = arith.addi %mul3A_113, %add3A_155 : i32
      %add3A_157 = arith.constant 2 : i32
      %add3A_158 = arith.addi %add3A_156, %add3A_157 : i32
      %lt3A_159 = arith.constant 568 : i32
      %lt3A_160 = arith.cmpi slt, %add3A_158, %lt3A_159 : i32
      %convert_element_type3A_161 = arith.extui %lt3A_160 : i1 to i32
      %cond3A_162 = arith.constant 0 : i32
      %cond3A_163 = arith.cmpi ne, %convert_element_type3A_161, %cond3A_162 : i32
      scf.if %cond3A_163 {
        %add3A_288 = arith.constant 2 : i32
        %add3A_289 = arith.addi %add3A_156, %add3A_288 : i32
        %ge3A = arith.constant 4 : i32
        %ge3A_290 = arith.cmpi sge, %add3A_289, %ge3A : i32
        %convert_element_type3A_291 = arith.extui %ge3A_290 : i1 to i32
        %cond3A_292 = arith.constant 0 : i32
        %cond3A_293 = arith.cmpi ne, %convert_element_type3A_291, %cond3A_292 : i32
        scf.if %cond3A_293 {
          %add3A_311 = arith.constant 2 : i32
          %add3A_312 = arith.addi %add3A_156, %add3A_311 : i32
          %sub3A = arith.constant 4 : i32
          %sub3A_313 = arith.subi %add3A_312, %sub3A : i32
          %mul3A_314 = arith.constant 16 : i32
          %mul3A_315 = arith.muli %sub3A_313, %mul3A_314 : i32
          %add3A_316 = arith.addi %mul3A_2, %mul3A_315 : i32
          %multiple_of3A_317 = tpu.assume_multiple %add3A_316, 16 : i32
          %dma_wait3A_318 = arith.constant 3 : i32
          %dma_wait3A_319 = arith.constant 3 : i32
          %dma_wait3A_320 = arith.constant 0 : i32
          %dma_wait3A_321 = arith.constant 0 : i32
          %dma_wait3A_322 = tpu.memref_slice %arg6[%dma_wait3A_318, %dma_wait3A_320, %dma_wait3A_321] : memref<4x16x1024xf32, #tpu.memory_space<vmem>> -> memref<1x16x1024xf32, #tpu.memory_space<vmem>>
          %dma_wait3A_323 = tpu.memref_squeeze %dma_wait3A_322 : memref<1x16x1024xf32, #tpu.memory_space<vmem>> -> memref<16x1024xf32, #tpu.memory_space<vmem>>
          %dma_wait3A_324 = arith.constant 0 : i32
          %dma_wait3A_325 = tpu.memref_slice %arg4[%multiple_of3A_317, %dma_wait3A_324] : memref<290816x1024xf32, #tpu.memory_space<hbm>> -> memref<16x1024xf32, #tpu.memory_space<hbm>>
          %dma_wait3A_326 = tpu.memref_slice %arg8[%dma_wait3A_319] : memref<4x!tpu.dma_semaphore, #tpu.memory_space<semaphore_mem>> -> memref<1x!tpu.dma_semaphore, #tpu.memory_space<semaphore_mem>>
          %dma_wait3A_327 = tpu.memref_squeeze %dma_wait3A_326 : memref<1x!tpu.dma_semaphore, #tpu.memory_space<semaphore_mem>> -> memref<!tpu.dma_semaphore, #tpu.memory_space<semaphore_mem>>
          %dma_wait3A_328 = arith.constant 0 : i32
          %dma_wait3A_329 = tpu.memref_slice %arg4[%multiple_of3A_317, %dma_wait3A_328] : memref<290816x1024xf32, #tpu.memory_space<hbm>> -> memref<16x1024xf32, #tpu.memory_space<hbm>>
          %dma_wait3A_330 = arith.constant 0 : i32
          %dma_wait3A_331 = arith.constant 0 : i32
          %dma_wait3A_332 = tpu.memref_slice %arg6[%dma_wait3A_318, %dma_wait3A_330, %dma_wait3A_331] : memref<4x16x1024xf32, #tpu.memory_space<vmem>> -> memref<1x16x1024xf32, #tpu.memory_space<vmem>>
          %dma_wait3A_333 = tpu.memref_squeeze %dma_wait3A_332 : memref<1x16x1024xf32, #tpu.memory_space<vmem>> -> memref<16x1024xf32, #tpu.memory_space<vmem>>
          tpu.wait_dma2 semaphore(%dma_wait3A_327 : memref<!tpu.dma_semaphore, #tpu.memory_space<semaphore_mem>>) src(%dma_wait3A_333 : memref<16x1024xf32, #tpu.memory_space<vmem>>) dst(%dma_wait3A_329 : memref<16x1024xf32, #tpu.memory_space<hbm>>)
        } else {
        }
        %add3A_294 = arith.constant 2 : i32
        %add3A_295 = arith.addi %add3A_156, %add3A_294 : i32
        %mul3A_296 = arith.constant 16 : i32
        %mul3A_297 = arith.muli %add3A_295, %mul3A_296 : i32
        %multiple_of3A_298 = tpu.assume_multiple %mul3A_297, 16 : i32
        %dma_start3A_299 = arith.constant 3 : i32
        %dma_start3A_300 = arith.constant 3 : i32
        %dma_start3A_301 = arith.constant 0 : i32
        %dma_start3A_302 = arith.constant 0 : i32
        %dma_start3A_303 = tpu.memref_slice %arg6[%dma_start3A_299, %dma_start3A_301, %dma_start3A_302] : memref<4x16x1024xf32, #tpu.memory_space<vmem>> -> memref<1x16x1024xf32, #tpu.memory_space<vmem>>
        %dma_start3A_304 = tpu.memref_squeeze %dma_start3A_303 : memref<1x16x1024xf32, #tpu.memory_space<vmem>> -> memref<16x1024xf32, #tpu.memory_space<vmem>>
        %dma_start3A_305 = tpu.memref_slice %arg5[%multiple_of3A_298] : memref<9088xi32, #tpu.memory_space<vmem>> -> memref<16xi32, #tpu.memory_space<vmem>>
        %dma_start3A_306 = arith.constant 0 : i32
        %dma_start3A_307 = arith.constant 0 : i32
        %dma_start3A_308 = tpu.memref_slice %arg2[%dma_start3A_306, %dma_start3A_307] : memref<19456x1024xf32, #tpu.memory_space<hbm>> -> memref<19456x1024xf32, #tpu.memory_space<hbm>>
        %dma_start3A_309 = tpu.memref_slice %arg7[%dma_start3A_300] : memref<4x!tpu.dma_semaphore, #tpu.memory_space<semaphore_mem>> -> memref<1x!tpu.dma_semaphore, #tpu.memory_space<semaphore_mem>>
        %dma_start3A_310 = tpu.memref_squeeze %dma_start3A_309 : memref<1x!tpu.dma_semaphore, #tpu.memory_space<semaphore_mem>> -> memref<!tpu.dma_semaphore, #tpu.memory_space<semaphore_mem>>
        tpu.enqueue_indirect_dma source(%dma_start3A_308 : memref<19456x1024xf32, #tpu.memory_space<hbm>>) target(%dma_start3A_304 : memref<16x1024xf32, #tpu.memory_space<vmem>>) offsets(%dma_start3A_305 : memref<16xi32, #tpu.memory_space<vmem>>) semaphore(%dma_start3A_310 : memref<!tpu.dma_semaphore, #tpu.memory_space<semaphore_mem>>)
      } else {
      }
      %mul3A_164 = arith.constant 16 : i32
      %mul3A_165 = arith.muli %add3A_156, %mul3A_164 : i32
      %multiple_of3A_166 = tpu.assume_multiple %mul3A_165, 16 : i32
      %dma_wait3A_167 = arith.constant 1 : i32
      %dma_wait3A_168 = arith.constant 1 : i32
      %dma_wait3A_169 = arith.constant 0 : i32
      %dma_wait3A_170 = arith.constant 0 : i32
      %dma_wait3A_171 = tpu.memref_slice %arg6[%dma_wait3A_167, %dma_wait3A_169, %dma_wait3A_170] : memref<4x16x1024xf32, #tpu.memory_space<vmem>> -> memref<1x16x1024xf32, #tpu.memory_space<vmem>>
      %dma_wait3A_172 = tpu.memref_squeeze %dma_wait3A_171 : memref<1x16x1024xf32, #tpu.memory_space<vmem>> -> memref<16x1024xf32, #tpu.memory_space<vmem>>
      %dma_wait3A_173 = tpu.memref_slice %arg5[%multiple_of3A_166] : memref<9088xi32, #tpu.memory_space<vmem>> -> memref<16xi32, #tpu.memory_space<vmem>>
      %dma_wait3A_174 = arith.constant 0 : i32
      %dma_wait3A_175 = arith.constant 0 : i32
      %dma_wait3A_176 = tpu.memref_slice %arg2[%dma_wait3A_174, %dma_wait3A_175] : memref<19456x1024xf32, #tpu.memory_space<hbm>> -> memref<19456x1024xf32, #tpu.memory_space<hbm>>
      %dma_wait3A_177 = tpu.memref_slice %arg7[%dma_wait3A_168] : memref<4x!tpu.dma_semaphore, #tpu.memory_space<semaphore_mem>> -> memref<1x!tpu.dma_semaphore, #tpu.memory_space<semaphore_mem>>
      %dma_wait3A_178 = tpu.memref_squeeze %dma_wait3A_177 : memref<1x!tpu.dma_semaphore, #tpu.memory_space<semaphore_mem>> -> memref<!tpu.dma_semaphore, #tpu.memory_space<semaphore_mem>>
      tpu.wait_indirect_dma semaphore(%dma_wait3A_178 : memref<!tpu.dma_semaphore, #tpu.memory_space<semaphore_mem>>) src(%dma_wait3A_176 : memref<19456x1024xf32, #tpu.memory_space<hbm>>) dst(%dma_wait3A_172 : memref<16x1024xf32, #tpu.memory_space<vmem>>)
      %mul3A_179 = arith.constant 16 : i32
      %mul3A_180 = arith.muli %add3A_156, %mul3A_179 : i32
      %add3A_181 = arith.addi %mul3A_2, %mul3A_180 : i32
      %multiple_of3A_182 = tpu.assume_multiple %add3A_181, 16 : i32
      %dma_start3A_183 = arith.constant 1 : i32
      %dma_start3A_184 = arith.constant 1 : i32
      %dma_start3A_185 = arith.constant 0 : i32
      %dma_start3A_186 = arith.constant 0 : i32
      %dma_start3A_187 = tpu.memref_slice %arg6[%dma_start3A_183, %dma_start3A_185, %dma_start3A_186] : memref<4x16x1024xf32, #tpu.memory_space<vmem>> -> memref<1x16x1024xf32, #tpu.memory_space<vmem>>
      %dma_start3A_188 = tpu.memref_squeeze %dma_start3A_187 : memref<1x16x1024xf32, #tpu.memory_space<vmem>> -> memref<16x1024xf32, #tpu.memory_space<vmem>>
      %dma_start3A_189 = arith.constant 0 : i32
      %dma_start3A_190 = tpu.memref_slice %arg4[%multiple_of3A_182, %dma_start3A_189] : memref<290816x1024xf32, #tpu.memory_space<hbm>> -> memref<16x1024xf32, #tpu.memory_space<hbm>>
      %dma_start3A_191 = tpu.memref_slice %arg8[%dma_start3A_184] : memref<4x!tpu.dma_semaphore, #tpu.memory_space<semaphore_mem>> -> memref<1x!tpu.dma_semaphore, #tpu.memory_space<semaphore_mem>>
      %dma_start3A_192 = tpu.memref_squeeze %dma_start3A_191 : memref<1x!tpu.dma_semaphore, #tpu.memory_space<semaphore_mem>> -> memref<!tpu.dma_semaphore, #tpu.memory_space<semaphore_mem>>
      %dma_start3A_193 = arith.constant 0 : i32
      %dma_start3A_194 = tpu.memref_slice %arg4[%multiple_of3A_182, %dma_start3A_193] : memref<290816x1024xf32, #tpu.memory_space<hbm>> -> memref<16x1024xf32, #tpu.memory_space<hbm>>
      %dma_start3A_195 = arith.constant 0 : i32
      %dma_start3A_196 = arith.constant 0 : i32
      %dma_start3A_197 = tpu.memref_slice %arg6[%dma_start3A_183, %dma_start3A_195, %dma_start3A_196] : memref<4x16x1024xf32, #tpu.memory_space<vmem>> -> memref<1x16x1024xf32, #tpu.memory_space<vmem>>
      %dma_start3A_198 = tpu.memref_squeeze %dma_start3A_197 : memref<1x16x1024xf32, #tpu.memory_space<vmem>> -> memref<16x1024xf32, #tpu.memory_space<vmem>>
      tpu.enqueue_dma source(%dma_start3A_198 : memref<16x1024xf32, #tpu.memory_space<vmem>>) target(%dma_start3A_194 : memref<16x1024xf32, #tpu.memory_space<hbm>>) target_semaphore(%dma_start3A_192 : memref<!tpu.dma_semaphore, #tpu.memory_space<semaphore_mem>>)
      %add3A_199 = arith.constant 2 : i32
      %add3A_200 = arith.addi %mul3A_113, %add3A_199 : i32
      %add3A_201 = arith.constant 2 : i32
      %add3A_202 = arith.addi %add3A_200, %add3A_201 : i32
      %lt3A_203 = arith.constant 568 : i32
      %lt3A_204 = arith.cmpi slt, %add3A_202, %lt3A_203 : i32
      %convert_element_type3A_205 = arith.extui %lt3A_204 : i1 to i32
      %cond3A_206 = arith.constant 0 : i32
      %cond3A_207 = arith.cmpi ne, %convert_element_type3A_205, %cond3A_206 : i32
      scf.if %cond3A_207 {
        %add3A_288 = arith.constant 2 : i32
        %add3A_289 = arith.addi %add3A_200, %add3A_288 : i32
        %ge3A = arith.constant 4 : i32
        %ge3A_290 = arith.cmpi sge, %add3A_289, %ge3A : i32
        %convert_element_type3A_291 = arith.extui %ge3A_290 : i1 to i32
        %cond3A_292 = arith.constant 0 : i32
        %cond3A_293 = arith.cmpi ne, %convert_element_type3A_291, %cond3A_292 : i32
        scf.if %cond3A_293 {
          %add3A_311 = arith.constant 2 : i32
          %add3A_312 = arith.addi %add3A_200, %add3A_311 : i32
          %sub3A = arith.constant 4 : i32
          %sub3A_313 = arith.subi %add3A_312, %sub3A : i32
          %mul3A_314 = arith.constant 16 : i32
          %mul3A_315 = arith.muli %sub3A_313, %mul3A_314 : i32
          %add3A_316 = arith.addi %mul3A_2, %mul3A_315 : i32
          %multiple_of3A_317 = tpu.assume_multiple %add3A_316, 16 : i32
          %dma_wait3A_318 = arith.constant 0 : i32
          %dma_wait3A_319 = arith.constant 0 : i32
          %dma_wait3A_320 = arith.constant 0 : i32
          %dma_wait3A_321 = arith.constant 0 : i32
          %dma_wait3A_322 = tpu.memref_slice %arg6[%dma_wait3A_318, %dma_wait3A_320, %dma_wait3A_321] : memref<4x16x1024xf32, #tpu.memory_space<vmem>> -> memref<1x16x1024xf32, #tpu.memory_space<vmem>>
          %dma_wait3A_323 = tpu.memref_squeeze %dma_wait3A_322 : memref<1x16x1024xf32, #tpu.memory_space<vmem>> -> memref<16x1024xf32, #tpu.memory_space<vmem>>
          %dma_wait3A_324 = arith.constant 0 : i32
          %dma_wait3A_325 = tpu.memref_slice %arg4[%multiple_of3A_317, %dma_wait3A_324] : memref<290816x1024xf32, #tpu.memory_space<hbm>> -> memref<16x1024xf32, #tpu.memory_space<hbm>>
          %dma_wait3A_326 = tpu.memref_slice %arg8[%dma_wait3A_319] : memref<4x!tpu.dma_semaphore, #tpu.memory_space<semaphore_mem>> -> memref<1x!tpu.dma_semaphore, #tpu.memory_space<semaphore_mem>>
          %dma_wait3A_327 = tpu.memref_squeeze %dma_wait3A_326 : memref<1x!tpu.dma_semaphore, #tpu.memory_space<semaphore_mem>> -> memref<!tpu.dma_semaphore, #tpu.memory_space<semaphore_mem>>
          %dma_wait3A_328 = arith.constant 0 : i32
          %dma_wait3A_329 = tpu.memref_slice %arg4[%multiple_of3A_317, %dma_wait3A_328] : memref<290816x1024xf32, #tpu.memory_space<hbm>> -> memref<16x1024xf32, #tpu.memory_space<hbm>>
          %dma_wait3A_330 = arith.constant 0 : i32
          %dma_wait3A_331 = arith.constant 0 : i32
          %dma_wait3A_332 = tpu.memref_slice %arg6[%dma_wait3A_318, %dma_wait3A_330, %dma_wait3A_331] : memref<4x16x1024xf32, #tpu.memory_space<vmem>> -> memref<1x16x1024xf32, #tpu.memory_space<vmem>>
          %dma_wait3A_333 = tpu.memref_squeeze %dma_wait3A_332 : memref<1x16x1024xf32, #tpu.memory_space<vmem>> -> memref<16x1024xf32, #tpu.memory_space<vmem>>
          tpu.wait_dma2 semaphore(%dma_wait3A_327 : memref<!tpu.dma_semaphore, #tpu.memory_space<semaphore_mem>>) src(%dma_wait3A_333 : memref<16x1024xf32, #tpu.memory_space<vmem>>) dst(%dma_wait3A_329 : memref<16x1024xf32, #tpu.memory_space<hbm>>)
        } else {
        }
        %add3A_294 = arith.constant 2 : i32
        %add3A_295 = arith.addi %add3A_200, %add3A_294 : i32
        %mul3A_296 = arith.constant 16 : i32
        %mul3A_297 = arith.muli %add3A_295, %mul3A_296 : i32
        %multiple_of3A_298 = tpu.assume_multiple %mul3A_297, 16 : i32
        %dma_start3A_299 = arith.constant 0 : i32
        %dma_start3A_300 = arith.constant 0 : i32
        %dma_start3A_301 = arith.constant 0 : i32
        %dma_start3A_302 = arith.constant 0 : i32
        %dma_start3A_303 = tpu.memref_slice %arg6[%dma_start3A_299, %dma_start3A_301, %dma_start3A_302] : memref<4x16x1024xf32, #tpu.memory_space<vmem>> -> memref<1x16x1024xf32, #tpu.memory_space<vmem>>
        %dma_start3A_304 = tpu.memref_squeeze %dma_start3A_303 : memref<1x16x1024xf32, #tpu.memory_space<vmem>> -> memref<16x1024xf32, #tpu.memory_space<vmem>>
        %dma_start3A_305 = tpu.memref_slice %arg5[%multiple_of3A_298] : memref<9088xi32, #tpu.memory_space<vmem>> -> memref<16xi32, #tpu.memory_space<vmem>>
        %dma_start3A_306 = arith.constant 0 : i32
        %dma_start3A_307 = arith.constant 0 : i32
        %dma_start3A_308 = tpu.memref_slice %arg2[%dma_start3A_306, %dma_start3A_307] : memref<19456x1024xf32, #tpu.memory_space<hbm>> -> memref<19456x1024xf32, #tpu.memory_space<hbm>>
        %dma_start3A_309 = tpu.memref_slice %arg7[%dma_start3A_300] : memref<4x!tpu.dma_semaphore, #tpu.memory_space<semaphore_mem>> -> memref<1x!tpu.dma_semaphore, #tpu.memory_space<semaphore_mem>>
        %dma_start3A_310 = tpu.memref_squeeze %dma_start3A_309 : memref<1x!tpu.dma_semaphore, #tpu.memory_space<semaphore_mem>> -> memref<!tpu.dma_semaphore, #tpu.memory_space<semaphore_mem>>
        tpu.enqueue_indirect_dma source(%dma_start3A_308 : memref<19456x1024xf32, #tpu.memory_space<hbm>>) target(%dma_start3A_304 : memref<16x1024xf32, #tpu.memory_space<vmem>>) offsets(%dma_start3A_305 : memref<16xi32, #tpu.memory_space<vmem>>) semaphore(%dma_start3A_310 : memref<!tpu.dma_semaphore, #tpu.memory_space<semaphore_mem>>)
      } else {
      }
      %mul3A_208 = arith.constant 16 : i32
      %mul3A_209 = arith.muli %add3A_200, %mul3A_208 : i32
      %multiple_of3A_210 = tpu.assume_multiple %mul3A_209, 16 : i32
      %dma_wait3A_211 = arith.constant 2 : i32
      %dma_wait3A_212 = arith.constant 2 : i32
      %dma_wait3A_213 = arith.constant 0 : i32
      %dma_wait3A_214 = arith.constant 0 : i32
      %dma_wait3A_215 = tpu.memref_slice %arg6[%dma_wait3A_211, %dma_wait3A_213, %dma_wait3A_214] : memref<4x16x1024xf32, #tpu.memory_space<vmem>> -> memref<1x16x1024xf32, #tpu.memory_space<vmem>>
      %dma_wait3A_216 = tpu.memref_squeeze %dma_wait3A_215 : memref<1x16x1024xf32, #tpu.memory_space<vmem>> -> memref<16x1024xf32, #tpu.memory_space<vmem>>
      %dma_wait3A_217 = tpu.memref_slice %arg5[%multiple_of3A_210] : memref<9088xi32, #tpu.memory_space<vmem>> -> memref<16xi32, #tpu.memory_space<vmem>>
      %dma_wait3A_218 = arith.constant 0 : i32
      %dma_wait3A_219 = arith.constant 0 : i32
      %dma_wait3A_220 = tpu.memref_slice %arg2[%dma_wait3A_218, %dma_wait3A_219] : memref<19456x1024xf32, #tpu.memory_space<hbm>> -> memref<19456x1024xf32, #tpu.memory_space<hbm>>
      %dma_wait3A_221 = tpu.memref_slice %arg7[%dma_wait3A_212] : memref<4x!tpu.dma_semaphore, #tpu.memory_space<semaphore_mem>> -> memref<1x!tpu.dma_semaphore, #tpu.memory_space<semaphore_mem>>
      %dma_wait3A_222 = tpu.memref_squeeze %dma_wait3A_221 : memref<1x!tpu.dma_semaphore, #tpu.memory_space<semaphore_mem>> -> memref<!tpu.dma_semaphore, #tpu.memory_space<semaphore_mem>>
      tpu.wait_indirect_dma semaphore(%dma_wait3A_222 : memref<!tpu.dma_semaphore, #tpu.memory_space<semaphore_mem>>) src(%dma_wait3A_220 : memref<19456x1024xf32, #tpu.memory_space<hbm>>) dst(%dma_wait3A_216 : memref<16x1024xf32, #tpu.memory_space<vmem>>)
      %mul3A_223 = arith.constant 16 : i32
      %mul3A_224 = arith.muli %add3A_200, %mul3A_223 : i32
      %add3A_225 = arith.addi %mul3A_2, %mul3A_224 : i32
      %multiple_of3A_226 = tpu.assume_multiple %add3A_225, 16 : i32
      %dma_start3A_227 = arith.constant 2 : i32
      %dma_start3A_228 = arith.constant 2 : i32
      %dma_start3A_229 = arith.constant 0 : i32
      %dma_start3A_230 = arith.constant 0 : i32
      %dma_start3A_231 = tpu.memref_slice %arg6[%dma_start3A_227, %dma_start3A_229, %dma_start3A_230] : memref<4x16x1024xf32, #tpu.memory_space<vmem>> -> memref<1x16x1024xf32, #tpu.memory_space<vmem>>
      %dma_start3A_232 = tpu.memref_squeeze %dma_start3A_231 : memref<1x16x1024xf32, #tpu.memory_space<vmem>> -> memref<16x1024xf32, #tpu.memory_space<vmem>>
      %dma_start3A_233 = arith.constant 0 : i32
      %dma_start3A_234 = tpu.memref_slice %arg4[%multiple_of3A_226, %dma_start3A_233] : memref<290816x1024xf32, #tpu.memory_space<hbm>> -> memref<16x1024xf32, #tpu.memory_space<hbm>>
      %dma_start3A_235 = tpu.memref_slice %arg8[%dma_start3A_228] : memref<4x!tpu.dma_semaphore, #tpu.memory_space<semaphore_mem>> -> memref<1x!tpu.dma_semaphore, #tpu.memory_space<semaphore_mem>>
      %dma_start3A_236 = tpu.memref_squeeze %dma_start3A_235 : memref<1x!tpu.dma_semaphore, #tpu.memory_space<semaphore_mem>> -> memref<!tpu.dma_semaphore, #tpu.memory_space<semaphore_mem>>
      %dma_start3A_237 = arith.constant 0 : i32
      %dma_start3A_238 = tpu.memref_slice %arg4[%multiple_of3A_226, %dma_start3A_237] : memref<290816x1024xf32, #tpu.memory_space<hbm>> -> memref<16x1024xf32, #tpu.memory_space<hbm>>
      %dma_start3A_239 = arith.constant 0 : i32
      %dma_start3A_240 = arith.constant 0 : i32
      %dma_start3A_241 = tpu.memref_slice %arg6[%dma_start3A_227, %dma_start3A_239, %dma_start3A_240] : memref<4x16x1024xf32, #tpu.memory_space<vmem>> -> memref<1x16x1024xf32, #tpu.memory_space<vmem>>
      %dma_start3A_242 = tpu.memref_squeeze %dma_start3A_241 : memref<1x16x1024xf32, #tpu.memory_space<vmem>> -> memref<16x1024xf32, #tpu.memory_space<vmem>>
      tpu.enqueue_dma source(%dma_start3A_242 : memref<16x1024xf32, #tpu.memory_space<vmem>>) target(%dma_start3A_238 : memref<16x1024xf32, #tpu.memory_space<hbm>>) target_semaphore(%dma_start3A_236 : memref<!tpu.dma_semaphore, #tpu.memory_space<semaphore_mem>>)
      %add3A_243 = arith.constant 3 : i32
      %add3A_244 = arith.addi %mul3A_113, %add3A_243 : i32
      %add3A_245 = arith.constant 2 : i32
      %add3A_246 = arith.addi %add3A_244, %add3A_245 : i32
      %lt3A_247 = arith.constant 568 : i32
      %lt3A_248 = arith.cmpi slt, %add3A_246, %lt3A_247 : i32
      %convert_element_type3A_249 = arith.extui %lt3A_248 : i1 to i32
      %cond3A_250 = arith.constant 0 : i32
      %cond3A_251 = arith.cmpi ne, %convert_element_type3A_249, %cond3A_250 : i32
      scf.if %cond3A_251 {
        %add3A_288 = arith.constant 2 : i32
        %add3A_289 = arith.addi %add3A_244, %add3A_288 : i32
        %ge3A = arith.constant 4 : i32
        %ge3A_290 = arith.cmpi sge, %add3A_289, %ge3A : i32
        %convert_element_type3A_291 = arith.extui %ge3A_290 : i1 to i32
        %cond3A_292 = arith.constant 0 : i32
        %cond3A_293 = arith.cmpi ne, %convert_element_type3A_291, %cond3A_292 : i32
        scf.if %cond3A_293 {
          %add3A_311 = arith.constant 2 : i32
          %add3A_312 = arith.addi %add3A_244, %add3A_311 : i32
          %sub3A = arith.constant 4 : i32
          %sub3A_313 = arith.subi %add3A_312, %sub3A : i32
          %mul3A_314 = arith.constant 16 : i32
          %mul3A_315 = arith.muli %sub3A_313, %mul3A_314 : i32
          %add3A_316 = arith.addi %mul3A_2, %mul3A_315 : i32
          %multiple_of3A_317 = tpu.assume_multiple %add3A_316, 16 : i32
          %dma_wait3A_318 = arith.constant 1 : i32
          %dma_wait3A_319 = arith.constant 1 : i32
          %dma_wait3A_320 = arith.constant 0 : i32
          %dma_wait3A_321 = arith.constant 0 : i32
          %dma_wait3A_322 = tpu.memref_slice %arg6[%dma_wait3A_318, %dma_wait3A_320, %dma_wait3A_321] : memref<4x16x1024xf32, #tpu.memory_space<vmem>> -> memref<1x16x1024xf32, #tpu.memory_space<vmem>>
          %dma_wait3A_323 = tpu.memref_squeeze %dma_wait3A_322 : memref<1x16x1024xf32, #tpu.memory_space<vmem>> -> memref<16x1024xf32, #tpu.memory_space<vmem>>
          %dma_wait3A_324 = arith.constant 0 : i32
          %dma_wait3A_325 = tpu.memref_slice %arg4[%multiple_of3A_317, %dma_wait3A_324] : memref<290816x1024xf32, #tpu.memory_space<hbm>> -> memref<16x1024xf32, #tpu.memory_space<hbm>>
          %dma_wait3A_326 = tpu.memref_slice %arg8[%dma_wait3A_319] : memref<4x!tpu.dma_semaphore, #tpu.memory_space<semaphore_mem>> -> memref<1x!tpu.dma_semaphore, #tpu.memory_space<semaphore_mem>>
          %dma_wait3A_327 = tpu.memref_squeeze %dma_wait3A_326 : memref<1x!tpu.dma_semaphore, #tpu.memory_space<semaphore_mem>> -> memref<!tpu.dma_semaphore, #tpu.memory_space<semaphore_mem>>
          %dma_wait3A_328 = arith.constant 0 : i32
          %dma_wait3A_329 = tpu.memref_slice %arg4[%multiple_of3A_317, %dma_wait3A_328] : memref<290816x1024xf32, #tpu.memory_space<hbm>> -> memref<16x1024xf32, #tpu.memory_space<hbm>>
          %dma_wait3A_330 = arith.constant 0 : i32
          %dma_wait3A_331 = arith.constant 0 : i32
          %dma_wait3A_332 = tpu.memref_slice %arg6[%dma_wait3A_318, %dma_wait3A_330, %dma_wait3A_331] : memref<4x16x1024xf32, #tpu.memory_space<vmem>> -> memref<1x16x1024xf32, #tpu.memory_space<vmem>>
          %dma_wait3A_333 = tpu.memref_squeeze %dma_wait3A_332 : memref<1x16x1024xf32, #tpu.memory_space<vmem>> -> memref<16x1024xf32, #tpu.memory_space<vmem>>
          tpu.wait_dma2 semaphore(%dma_wait3A_327 : memref<!tpu.dma_semaphore, #tpu.memory_space<semaphore_mem>>) src(%dma_wait3A_333 : memref<16x1024xf32, #tpu.memory_space<vmem>>) dst(%dma_wait3A_329 : memref<16x1024xf32, #tpu.memory_space<hbm>>)
        } else {
        }
        %add3A_294 = arith.constant 2 : i32
        %add3A_295 = arith.addi %add3A_244, %add3A_294 : i32
        %mul3A_296 = arith.constant 16 : i32
        %mul3A_297 = arith.muli %add3A_295, %mul3A_296 : i32
        %multiple_of3A_298 = tpu.assume_multiple %mul3A_297, 16 : i32
        %dma_start3A_299 = arith.constant 1 : i32
        %dma_start3A_300 = arith.constant 1 : i32
        %dma_start3A_301 = arith.constant 0 : i32
        %dma_start3A_302 = arith.constant 0 : i32
        %dma_start3A_303 = tpu.memref_slice %arg6[%dma_start3A_299, %dma_start3A_301, %dma_start3A_302] : memref<4x16x1024xf32, #tpu.memory_space<vmem>> -> memref<1x16x1024xf32, #tpu.memory_space<vmem>>
        %dma_start3A_304 = tpu.memref_squeeze %dma_start3A_303 : memref<1x16x1024xf32, #tpu.memory_space<vmem>> -> memref<16x1024xf32, #tpu.memory_space<vmem>>
        %dma_start3A_305 = tpu.memref_slice %arg5[%multiple_of3A_298] : memref<9088xi32, #tpu.memory_space<vmem>> -> memref<16xi32, #tpu.memory_space<vmem>>
        %dma_start3A_306 = arith.constant 0 : i32
        %dma_start3A_307 = arith.constant 0 : i32
        %dma_start3A_308 = tpu.memref_slice %arg2[%dma_start3A_306, %dma_start3A_307] : memref<19456x1024xf32, #tpu.memory_space<hbm>> -> memref<19456x1024xf32, #tpu.memory_space<hbm>>
        %dma_start3A_309 = tpu.memref_slice %arg7[%dma_start3A_300] : memref<4x!tpu.dma_semaphore, #tpu.memory_space<semaphore_mem>> -> memref<1x!tpu.dma_semaphore, #tpu.memory_space<semaphore_mem>>
        %dma_start3A_310 = tpu.memref_squeeze %dma_start3A_309 : memref<1x!tpu.dma_semaphore, #tpu.memory_space<semaphore_mem>> -> memref<!tpu.dma_semaphore, #tpu.memory_space<semaphore_mem>>
        tpu.enqueue_indirect_dma source(%dma_start3A_308 : memref<19456x1024xf32, #tpu.memory_space<hbm>>) target(%dma_start3A_304 : memref<16x1024xf32, #tpu.memory_space<vmem>>) offsets(%dma_start3A_305 : memref<16xi32, #tpu.memory_space<vmem>>) semaphore(%dma_start3A_310 : memref<!tpu.dma_semaphore, #tpu.memory_space<semaphore_mem>>)
      } else {
      }
      %mul3A_252 = arith.constant 16 : i32
      %mul3A_253 = arith.muli %add3A_244, %mul3A_252 : i32
      %multiple_of3A_254 = tpu.assume_multiple %mul3A_253, 16 : i32
      %dma_wait3A_255 = arith.constant 3 : i32
      %dma_wait3A_256 = arith.constant 3 : i32
      %dma_wait3A_257 = arith.constant 0 : i32
      %dma_wait3A_258 = arith.constant 0 : i32
      %dma_wait3A_259 = tpu.memref_slice %arg6[%dma_wait3A_255, %dma_wait3A_257, %dma_wait3A_258] : memref<4x16x1024xf32, #tpu.memory_space<vmem>> -> memref<1x16x1024xf32, #tpu.memory_space<vmem>>
      %dma_wait3A_260 = tpu.memref_squeeze %dma_wait3A_259 : memref<1x16x1024xf32, #tpu.memory_space<vmem>> -> memref<16x1024xf32, #tpu.memory_space<vmem>>
      %dma_wait3A_261 = tpu.memref_slice %arg5[%multiple_of3A_254] : memref<9088xi32, #tpu.memory_space<vmem>> -> memref<16xi32, #tpu.memory_space<vmem>>
      %dma_wait3A_262 = arith.constant 0 : i32
      %dma_wait3A_263 = arith.constant 0 : i32
      %dma_wait3A_264 = tpu.memref_slice %arg2[%dma_wait3A_262, %dma_wait3A_263] : memref<19456x1024xf32, #tpu.memory_space<hbm>> -> memref<19456x1024xf32, #tpu.memory_space<hbm>>
      %dma_wait3A_265 = tpu.memref_slice %arg7[%dma_wait3A_256] : memref<4x!tpu.dma_semaphore, #tpu.memory_space<semaphore_mem>> -> memref<1x!tpu.dma_semaphore, #tpu.memory_space<semaphore_mem>>
      %dma_wait3A_266 = tpu.memref_squeeze %dma_wait3A_265 : memref<1x!tpu.dma_semaphore, #tpu.memory_space<semaphore_mem>> -> memref<!tpu.dma_semaphore, #tpu.memory_space<semaphore_mem>>
      tpu.wait_indirect_dma semaphore(%dma_wait3A_266 : memref<!tpu.dma_semaphore, #tpu.memory_space<semaphore_mem>>) src(%dma_wait3A_264 : memref<19456x1024xf32, #tpu.memory_space<hbm>>) dst(%dma_wait3A_260 : memref<16x1024xf32, #tpu.memory_space<vmem>>)
      %mul3A_267 = arith.constant 16 : i32
      %mul3A_268 = arith.muli %add3A_244, %mul3A_267 : i32
      %add3A_269 = arith.addi %mul3A_2, %mul3A_268 : i32
      %multiple_of3A_270 = tpu.assume_multiple %add3A_269, 16 : i32
      %dma_start3A_271 = arith.constant 3 : i32
      %dma_start3A_272 = arith.constant 3 : i32
      %dma_start3A_273 = arith.constant 0 : i32
      %dma_start3A_274 = arith.constant 0 : i32
      %dma_start3A_275 = tpu.memref_slice %arg6[%dma_start3A_271, %dma_start3A_273, %dma_start3A_274] : memref<4x16x1024xf32, #tpu.memory_space<vmem>> -> memref<1x16x1024xf32, #tpu.memory_space<vmem>>
      %dma_start3A_276 = tpu.memref_squeeze %dma_start3A_275 : memref<1x16x1024xf32, #tpu.memory_space<vmem>> -> memref<16x1024xf32, #tpu.memory_space<vmem>>
      %dma_start3A_277 = arith.constant 0 : i32
      %dma_start3A_278 = tpu.memref_slice %arg4[%multiple_of3A_270, %dma_start3A_277] : memref<290816x1024xf32, #tpu.memory_space<hbm>> -> memref<16x1024xf32, #tpu.memory_space<hbm>>
      %dma_start3A_279 = tpu.memref_slice %arg8[%dma_start3A_272] : memref<4x!tpu.dma_semaphore, #tpu.memory_space<semaphore_mem>> -> memref<1x!tpu.dma_semaphore, #tpu.memory_space<semaphore_mem>>
      %dma_start3A_280 = tpu.memref_squeeze %dma_start3A_279 : memref<1x!tpu.dma_semaphore, #tpu.memory_space<semaphore_mem>> -> memref<!tpu.dma_semaphore, #tpu.memory_space<semaphore_mem>>
      %dma_start3A_281 = arith.constant 0 : i32
      %dma_start3A_282 = tpu.memref_slice %arg4[%multiple_of3A_270, %dma_start3A_281] : memref<290816x1024xf32, #tpu.memory_space<hbm>> -> memref<16x1024xf32, #tpu.memory_space<hbm>>
      %dma_start3A_283 = arith.constant 0 : i32
      %dma_start3A_284 = arith.constant 0 : i32
      %dma_start3A_285 = tpu.memref_slice %arg6[%dma_start3A_271, %dma_start3A_283, %dma_start3A_284] : memref<4x16x1024xf32, #tpu.memory_space<vmem>> -> memref<1x16x1024xf32, #tpu.memory_space<vmem>>
      %dma_start3A_286 = tpu.memref_squeeze %dma_start3A_285 : memref<1x16x1024xf32, #tpu.memory_space<vmem>> -> memref<16x1024xf32, #tpu.memory_space<vmem>>
      tpu.enqueue_dma source(%dma_start3A_286 : memref<16x1024xf32, #tpu.memory_space<vmem>>) target(%dma_start3A_282 : memref<16x1024xf32, #tpu.memory_space<hbm>>) target_semaphore(%dma_start3A_280 : memref<!tpu.dma_semaphore, #tpu.memory_space<semaphore_mem>>)
      %scan3A_287 = arith.constant 0 : i32
      scf.yield %scan3A_287 : i32
    }
    %scan3A_34 = arith.constant 142 : i32
    %add3A_35 = arith.constant 9024 : i32
    %add3A_36 = arith.addi %mul3A_2, %add3A_35 : i32
    %multiple_of3A_37 = tpu.assume_multiple %add3A_36, 16 : i32
    %dma_wait3A = arith.constant 0 : i32
    %dma_wait3A_38 = arith.constant 0 : i32
    %dma_wait3A_39 = arith.constant 0 : i32
    %dma_wait3A_40 = arith.constant 0 : i32
    %dma_wait3A_41 = tpu.memref_slice %arg6[%dma_wait3A, %dma_wait3A_39, %dma_wait3A_40] : memref<4x16x1024xf32, #tpu.memory_space<vmem>> -> memref<1x16x1024xf32, #tpu.memory_space<vmem>>
    %dma_wait3A_42 = tpu.memref_squeeze %dma_wait3A_41 : memref<1x16x1024xf32, #tpu.memory_space<vmem>> -> memref<16x1024xf32, #tpu.memory_space<vmem>>
    %dma_wait3A_43 = arith.constant 0 : i32
    %dma_wait3A_44 = tpu.memref_slice %arg4[%multiple_of3A_37, %dma_wait3A_43] : memref<290816x1024xf32, #tpu.memory_space<hbm>> -> memref<16x1024xf32, #tpu.memory_space<hbm>>
    %dma_wait3A_45 = tpu.memref_slice %arg8[%dma_wait3A_38] : memref<4x!tpu.dma_semaphore, #tpu.memory_space<semaphore_mem>> -> memref<1x!tpu.dma_semaphore, #tpu.memory_space<semaphore_mem>>
    %dma_wait3A_46 = tpu.memref_squeeze %dma_wait3A_45 : memref<1x!tpu.dma_semaphore, #tpu.memory_space<semaphore_mem>> -> memref<!tpu.dma_semaphore, #tpu.memory_space<semaphore_mem>>
    %dma_wait3A_47 = arith.constant 0 : i32
    %dma_wait3A_48 = tpu.memref_slice %arg4[%multiple_of3A_37, %dma_wait3A_47] : memref<290816x1024xf32, #tpu.memory_space<hbm>> -> memref<16x1024xf32, #tpu.memory_space<hbm>>
    %dma_wait3A_49 = arith.constant 0 : i32
    %dma_wait3A_50 = arith.constant 0 : i32
    %dma_wait3A_51 = tpu.memref_slice %arg6[%dma_wait3A, %dma_wait3A_49, %dma_wait3A_50] : memref<4x16x1024xf32, #tpu.memory_space<vmem>> -> memref<1x16x1024xf32, #tpu.memory_space<vmem>>
    %dma_wait3A_52 = tpu.memref_squeeze %dma_wait3A_51 : memref<1x16x1024xf32, #tpu.memory_space<vmem>> -> memref<16x1024xf32, #tpu.memory_space<vmem>>
    tpu.wait_dma2 semaphore(%dma_wait3A_46 : memref<!tpu.dma_semaphore, #tpu.memory_space<semaphore_mem>>) src(%dma_wait3A_52 : memref<16x1024xf32, #tpu.memory_space<vmem>>) dst(%dma_wait3A_48 : memref<16x1024xf32, #tpu.memory_space<hbm>>)
    %add3A_53 = arith.constant 9040 : i32
    %add3A_54 = arith.addi %mul3A_2, %add3A_53 : i32
    %multiple_of3A_55 = tpu.assume_multiple %add3A_54, 16 : i32
    %dma_wait3A_56 = arith.constant 1 : i32
    %dma_wait3A_57 = arith.constant 1 : i32
    %dma_wait3A_58 = arith.constant 0 : i32
    %dma_wait3A_59 = arith.constant 0 : i32
    %dma_wait3A_60 = tpu.memref_slice %arg6[%dma_wait3A_56, %dma_wait3A_58, %dma_wait3A_59] : memref<4x16x1024xf32, #tpu.memory_space<vmem>> -> memref<1x16x1024xf32, #tpu.memory_space<vmem>>
    %dma_wait3A_61 = tpu.memref_squeeze %dma_wait3A_60 : memref<1x16x1024xf32, #tpu.memory_space<vmem>> -> memref<16x1024xf32, #tpu.memory_space<vmem>>
    %dma_wait3A_62 = arith.constant 0 : i32
    %dma_wait3A_63 = tpu.memref_slice %arg4[%multiple_of3A_55, %dma_wait3A_62] : memref<290816x1024xf32, #tpu.memory_space<hbm>> -> memref<16x1024xf32, #tpu.memory_space<hbm>>
    %dma_wait3A_64 = tpu.memref_slice %arg8[%dma_wait3A_57] : memref<4x!tpu.dma_semaphore, #tpu.memory_space<semaphore_mem>> -> memref<1x!tpu.dma_semaphore, #tpu.memory_space<semaphore_mem>>
    %dma_wait3A_65 = tpu.memref_squeeze %dma_wait3A_64 : memref<1x!tpu.dma_semaphore, #tpu.memory_space<semaphore_mem>> -> memref<!tpu.dma_semaphore, #tpu.memory_space<semaphore_mem>>
    %dma_wait3A_66 = arith.constant 0 : i32
    %dma_wait3A_67 = tpu.memref_slice %arg4[%multiple_of3A_55, %dma_wait3A_66] : memref<290816x1024xf32, #tpu.memory_space<hbm>> -> memref<16x1024xf32, #tpu.memory_space<hbm>>
    %dma_wait3A_68 = arith.constant 0 : i32
    %dma_wait3A_69 = arith.constant 0 : i32
    %dma_wait3A_70 = tpu.memref_slice %arg6[%dma_wait3A_56, %dma_wait3A_68, %dma_wait3A_69] : memref<4x16x1024xf32, #tpu.memory_space<vmem>> -> memref<1x16x1024xf32, #tpu.memory_space<vmem>>
    %dma_wait3A_71 = tpu.memref_squeeze %dma_wait3A_70 : memref<1x16x1024xf32, #tpu.memory_space<vmem>> -> memref<16x1024xf32, #tpu.memory_space<vmem>>
    tpu.wait_dma2 semaphore(%dma_wait3A_65 : memref<!tpu.dma_semaphore, #tpu.memory_space<semaphore_mem>>) src(%dma_wait3A_71 : memref<16x1024xf32, #tpu.memory_space<vmem>>) dst(%dma_wait3A_67 : memref<16x1024xf32, #tpu.memory_space<hbm>>)
    %add3A_72 = arith.constant 9056 : i32
    %add3A_73 = arith.addi %mul3A_2, %add3A_72 : i32
    %multiple_of3A_74 = tpu.assume_multiple %add3A_73, 16 : i32
    %dma_wait3A_75 = arith.constant 2 : i32
    %dma_wait3A_76 = arith.constant 2 : i32
    %dma_wait3A_77 = arith.constant 0 : i32
    %dma_wait3A_78 = arith.constant 0 : i32
    %dma_wait3A_79 = tpu.memref_slice %arg6[%dma_wait3A_75, %dma_wait3A_77, %dma_wait3A_78] : memref<4x16x1024xf32, #tpu.memory_space<vmem>> -> memref<1x16x1024xf32, #tpu.memory_space<vmem>>
    %dma_wait3A_80 = tpu.memref_squeeze %dma_wait3A_79 : memref<1x16x1024xf32, #tpu.memory_space<vmem>> -> memref<16x1024xf32, #tpu.memory_space<vmem>>
    %dma_wait3A_81 = arith.constant 0 : i32
    %dma_wait3A_82 = tpu.memref_slice %arg4[%multiple_of3A_74, %dma_wait3A_81] : memref<290816x1024xf32, #tpu.memory_space<hbm>> -> memref<16x1024xf32, #tpu.memory_space<hbm>>
    %dma_wait3A_83 = tpu.memref_slice %arg8[%dma_wait3A_76] : memref<4x!tpu.dma_semaphore, #tpu.memory_space<semaphore_mem>> -> memref<1x!tpu.dma_semaphore, #tpu.memory_space<semaphore_mem>>
    %dma_wait3A_84 = tpu.memref_squeeze %dma_wait3A_83 : memref<1x!tpu.dma_semaphore, #tpu.memory_space<semaphore_mem>> -> memref<!tpu.dma_semaphore, #tpu.memory_space<semaphore_mem>>
    %dma_wait3A_85 = arith.constant 0 : i32
    %dma_wait3A_86 = tpu.memref_slice %arg4[%multiple_of3A_74, %dma_wait3A_85] : memref<290816x1024xf32, #tpu.memory_space<hbm>> -> memref<16x1024xf32, #tpu.memory_space<hbm>>
    %dma_wait3A_87 = arith.constant 0 : i32
    %dma_wait3A_88 = arith.constant 0 : i32
    %dma_wait3A_89 = tpu.memref_slice %arg6[%dma_wait3A_75, %dma_wait3A_87, %dma_wait3A_88] : memref<4x16x1024xf32, #tpu.memory_space<vmem>> -> memref<1x16x1024xf32, #tpu.memory_space<vmem>>
    %dma_wait3A_90 = tpu.memref_squeeze %dma_wait3A_89 : memref<1x16x1024xf32, #tpu.memory_space<vmem>> -> memref<16x1024xf32, #tpu.memory_space<vmem>>
    tpu.wait_dma2 semaphore(%dma_wait3A_84 : memref<!tpu.dma_semaphore, #tpu.memory_space<semaphore_mem>>) src(%dma_wait3A_90 : memref<16x1024xf32, #tpu.memory_space<vmem>>) dst(%dma_wait3A_86 : memref<16x1024xf32, #tpu.memory_space<hbm>>)
    %add3A_91 = arith.constant 9072 : i32
    %add3A_92 = arith.addi %mul3A_2, %add3A_91 : i32
    %multiple_of3A_93 = tpu.assume_multiple %add3A_92, 16 : i32
    %dma_wait3A_94 = arith.constant 3 : i32
    %dma_wait3A_95 = arith.constant 3 : i32
    %dma_wait3A_96 = arith.constant 0 : i32
    %dma_wait3A_97 = arith.constant 0 : i32
    %dma_wait3A_98 = tpu.memref_slice %arg6[%dma_wait3A_94, %dma_wait3A_96, %dma_wait3A_97] : memref<4x16x1024xf32, #tpu.memory_space<vmem>> -> memref<1x16x1024xf32, #tpu.memory_space<vmem>>
    %dma_wait3A_99 = tpu.memref_squeeze %dma_wait3A_98 : memref<1x16x1024xf32, #tpu.memory_space<vmem>> -> memref<16x1024xf32, #tpu.memory_space<vmem>>
    %dma_wait3A_100 = arith.constant 0 : i32
    %dma_wait3A_101 = tpu.memref_slice %arg4[%multiple_of3A_93, %dma_wait3A_100] : memref<290816x1024xf32, #tpu.memory_space<hbm>> -> memref<16x1024xf32, #tpu.memory_space<hbm>>
    %dma_wait3A_102 = tpu.memref_slice %arg8[%dma_wait3A_95] : memref<4x!tpu.dma_semaphore, #tpu.memory_space<semaphore_mem>> -> memref<1x!tpu.dma_semaphore, #tpu.memory_space<semaphore_mem>>
    %dma_wait3A_103 = tpu.memref_squeeze %dma_wait3A_102 : memref<1x!tpu.dma_semaphore, #tpu.memory_space<semaphore_mem>> -> memref<!tpu.dma_semaphore, #tpu.memory_space<semaphore_mem>>
    %dma_wait3A_104 = arith.constant 0 : i32
    %dma_wait3A_105 = tpu.memref_slice %arg4[%multiple_of3A_93, %dma_wait3A_104] : memref<290816x1024xf32, #tpu.memory_space<hbm>> -> memref<16x1024xf32, #tpu.memory_space<hbm>>
    %dma_wait3A_106 = arith.constant 0 : i32
    %dma_wait3A_107 = arith.constant 0 : i32
    %dma_wait3A_108 = tpu.memref_slice %arg6[%dma_wait3A_94, %dma_wait3A_106, %dma_wait3A_107] : memref<4x16x1024xf32, #tpu.memory_space<vmem>> -> memref<1x16x1024xf32, #tpu.memory_space<vmem>>
    %dma_wait3A_109 = tpu.memref_squeeze %dma_wait3A_108 : memref<1x16x1024xf32, #tpu.memory_space<vmem>> -> memref<16x1024xf32, #tpu.memory_space<vmem>>
    tpu.wait_dma2 semaphore(%dma_wait3A_103 : memref<!tpu.dma_semaphore, #tpu.memory_space<semaphore_mem>>) src(%dma_wait3A_109 : memref<16x1024xf32, #tpu.memory_space<vmem>>) dst(%dma_wait3A_105 : memref<16x1024xf32, #tpu.memory_space<hbm>>)
    return
  }
}

module attributes {stable_mosaic.version = 14 : i64} {
  func.func @_build_body(%arg0: i32, %arg1: memref<8x1x1024xf32, #tpu.memory_space<vmem>>, %arg2: memref<8x64x1024xf32, #tpu.memory_space<vmem>>, %arg3: memref<8x64x1024xf32, #tpu.memory_space<vmem>>) attributes {dimension_semantics = [#tpu.dimension_semantics<arbitrary>], iteration_bounds = array<i64: 38>, scalar_prefetch = 0 : i64, scratch_operands = 0 : i64, tpu.core_type = #tpu.core_type<tc>, window_params = [{transform_indices = @transform_0, window_bounds = array<i64: 8, 1, 1024>}, {transform_indices = @transform_1, window_bounds = array<i64: 8, 64, 1024>}, {transform_indices = @transform_2, window_bounds = array<i64: 8, 64, 1024>}]} {
    %get3A = arith.constant 0 : index
    %get3A_0 = arith.constant 0 : index
    %get3A_1 = arith.constant 0 : index
    %get3A_2 = vector.load %arg1[%get3A, %get3A_0, %get3A_1] : memref<8x1x1024xf32, #tpu.memory_space<vmem>>, vector<8x1x1024xf32>
    %get3A_3 = arith.constant 0 : index
    %get3A_4 = arith.constant 0 : index
    %get3A_5 = arith.constant 0 : index
    %get3A_6 = vector.load %arg2[%get3A_3, %get3A_4, %get3A_5] : memref<8x64x1024xf32, #tpu.memory_space<vmem>>, vector<8x64x1024xf32>
    %add3A = vector.broadcast %get3A_2 : vector<8x1x1024xf32> to vector<8x64x1024xf32>
    %add3A_7 = arith.addf %add3A, %get3A_6 : vector<8x64x1024xf32>
    %swap3A = arith.constant 0 : index
    %swap3A_8 = arith.constant 0 : index
    %swap3A_9 = arith.constant 0 : index
    %swap3A_10 = vector.load %arg3[%swap3A, %swap3A_8, %swap3A_9] : memref<8x64x1024xf32, #tpu.memory_space<vmem>>, vector<8x64x1024xf32>
    tpu.vector_store %arg3[%swap3A, %swap3A_8, %swap3A_9], %add3A_7 {strides = array<i32>} : memref<8x64x1024xf32, #tpu.memory_space<vmem>>, vector<8x64x1024xf32>,
    return
  }
  func.func @transform_0(%arg0: i32) -> (i32, i32, i32) {
    %c0_i32 = arith.constant 0 : i32
    %c0_i32_0 = arith.constant 0 : i32
    %c0_i32_1 = arith.constant 0 : i32
    return %arg0, %c0_i32, %c0_i32_0 : i32, i32, i32
  }
  func.func @transform_1(%arg0: i32) -> (i32, i32, i32) {
    %lt3A = arith.constant 37 : i32
    %lt3A_0 = arith.cmpi slt, %arg0, %lt3A : i32
    %jit3A = arith.constant 0 : i32
    %jit3A_1 = arith.constant 1 : i32
    %select_n3A = arith.select %lt3A_0, %jit3A, %jit3A_1 : i32
    %c0_i32 = arith.constant 0 : i32
    %c0_i32_2 = arith.constant 0 : i32
    %c0_i32_3 = arith.constant 0 : i32
    return %select_n3A, %c0_i32, %c0_i32_2 : i32, i32, i32
  }
  func.func @transform_2(%arg0: i32) -> (i32, i32, i32) {
    %c0_i32 = arith.constant 0 : i32
    %c0_i32_0 = arith.constant 0 : i32
    %c0_i32_1 = arith.constant 0 : i32
    return %arg0, %c0_i32, %c0_i32_0 : i32, i32, i32
  }
}

</mosaic_0001>

<sc_bundles>
// kernel: kernel.4.cloned.1.call-start
scs
__scs_entry_jumppad:
0x0: {  	(pc) =	sbr.rel $0x88, $3  }
0x1: {  	(tag) =	ssettag $0x0;
	lr =	simm.s32 $0x1  }
0x2: {  	[smem:$0x3F9A] =	sst lr;
	_ =	strace $0xD0000000  }
0x3: {  	_ = 	snop  }
0x4: {  	_ = 	snop  }
0x5: {  	_ = 	snop  }
0x6: {  	_ = 	snop  }
0x7: {  	_ = 	snop  }
__scs_overlays_trampoline_lowered:
0x8: {  	[smem:$0x3FA9] =	sst s0  }
0x9: {  	[smem:$0x3FAA] =	sst s1  }
0xa: {  	[smem:$0x3FAB] =	sst s2  }
0xb: {  	[smem:$0x3FAC] =	sst s3  }
0xc: {  	[smem:$0x3FAD] =	sst s4  }
0xd: {  	[smem:$0x3FAE] =	sst s5  }
0xe: {  	[smem:$0x3FAF] =	sst s6  }
0xf: {  	[smem:$0x3FB0] =	sst s7  }
0x10: {  	[smem:$0x3FB1] =	sst s8  }
0x11: {  	[smem:$0x3FB2] =	sst s9;
	s0 =	simm.s32 @!p0 $0x0  }
0x12: {  	s1 =	sld [smem:$0x3F98];
	s0 =	simm.s32 @p0 $0x1  }
0x13: {  	[smem:$0x3FB3] =	sst s0;
	s0 =	simm.s32 @!p1 $0x0  }
0x14: {  	s2 =	sld [smem:$0x3F97];
	s0 =	simm.s32 @p1 $0x1  }
0x15: {  	[smem:$0x3FB4] =	sst s0;
	s0 =	simm.s32 @!p2 $0x0  }
0x16: {  	s3 =	sld [smem:$0x3FDB];
	s0 =	simm.s32 @p2 $0x1  }
0x17: {  	s4 =	simm.s32 $0x1BF5;
	[smem:$0x3FB6] =	sst s0  }
0x18: {  	s0 =	sld [smem:$0x3F99];
	_ =	swait.ge [sflag:s4], $0x0  }
0x19: {  	s7 =	sld [smem:$0x3F9A]  }
0x1a: {  	s8 =	sadd.s32 $0xFFFFE003, lr  }
0x1b: {  	s9 =	sadd.s32 $0xFFFFFEF7, lr;
	s5 =	simm.s32 $0xFFFFFFFF;
	p2 =	slt.u32 s8, $0xFFFFF086  }
0x1c: {  	p1 =	slt.u32 s9, $0xF7A;
	s5 =	simm.s32 @!p2 $0x0  }
0x1d: {  	s5 =	simm.s32 @p1 $0x1;
	p0 =	seq.s32 s7, s2  }
0x1e: {  	s7 =	smul.u32 @!p0 $0xF7A, s2;
	p2 =	seq.s32 @!p0 s5, $0x0  }
0x1f: {  	s9 =	smul.u32 $0xF7A, s1;
	s8 =	simm.s32 @!p0 $0x1BF5;
	p2 =	por !p2, p0  }
0x20: {  	[sflag:s8] =	ssyncset.s32 @!p0 $0xFFFFF086;
	s6 =	sadd.s32 @!p0 s3, s7;
	s7 =	simm.s32 @!p0 $0x108  }
0x21: {  	s3 =	sadd.s32 s3, s9;
	s6 =	sadd.s32 @!p0 $0x88, s6;
	s7 =	simm.s32 @p2 $0x1082  }
0x22: {  	[simem:s7], [sflag:s8] =	dma.local @!p0 [hbm:s6], $0xF7A  }
0x23: {  	s9 =	sor.u32 $0xD0000000, s2;
	s6 =	simm.s32 $0x108;
	_ =	swait.ge @!p0 [sflag:s8], $0x0  }
0x24: {  	s3 =	sadd.s32 $0x88, s3;
	s6 =	simm.s32 @!p1 $0x1082;
	[sflag:s4] =	ssyncset.s32 $0xFFFFF086  }
0x25: {  	[simem:s6], [sflag:s4] =	dma.local [hbm:s3], $0xF7A  }
0x26: {  	[smem:$0x3F9A] =	sst s1;
	(tag) =	ssettag s2;
	_ =	strace s9  }
0x27: {  	s1 =	sld [smem:$0x3FAA]  }
0x28: {  	s2 =	sld [smem:$0x3FAB]  }
0x29: {  	s4 =	sld [smem:$0x3FAD]  }
0x2a: {  	p0 =	seq.s32 s5, $0x0;
	s5 =	sld [smem:$0x3FAE]  }
0x2b: {  	s6 =	sld [smem:$0x3FAF]  }
0x2c: {  	s7 =	sld [smem:$0x3FB0]  }
0x2d: {  	s3 =	simm.s32 $0x108;
	s8 =	sld [smem:$0x3FB1]  }
0x2e: {  	s3 =	simm.s32 @!p0 $0x1082;
	s9 =	sld [smem:$0x3FB2]  }
0x2f: {  	lr =	sadd.s32 s0, s3;
	s0 =	sld [smem:$0x3FA9]  }
0x30: {  	s3 =	sld [smem:$0x3FAC]  }
0x31: {  	[smem:$0x3FB5] =	sst s10  }
0x32: {  	s10 =	sld [smem:$0x3FB3];
	_ =	sdelay $0x3  }
0x33: {  	p0 =	seq.s32 s10, $0x1;
	s10 =	sld [smem:$0x3FB5];
	_ =	sdelay $0x3  }
0x34: {  	[smem:$0x3FB5] =	sst s10  }
0x35: {  	s10 =	sld [smem:$0x3FB4];
	_ =	sdelay $0x3  }
0x36: {  	p1 =	seq.s32 s10, $0x1;
	s10 =	sld [smem:$0x3FB5];
	_ =	sdelay $0x3  }
0x37: {  	[smem:$0x3FB5] =	sst s10  }
0x38: {  	s10 =	sld [smem:$0x3FB6]  }
0x39: {  	_ = 	snop;
	(pc) =	sbr.ind lr, $3  }
0x3a: {  	_ = 	snop  }
0x3b: {  	_ = 	snop  }
0x3c: {  	p2 =	seq.s32 s10, $0x1;
	s10 =	sld [smem:$0x3FB5]  }
0x3d: {  	_ =	shalt  }
0x3e: {  	_ =	shalt  }
0x3f: {  	_ =	shalt  }
0x40: {  	_ =	shalt  }
0x41: {  	_ =	shalt  }
0x42: {  	_ =	shalt  }
0x43: {  	_ =	shalt  }
0x44: {  	_ =	shalt  }
0x45: {  	_ =	shalt  }
0x46: {  	_ =	shalt  }
0x47: {  	_ =	shalt  }
0x48: {  	_ =	shalt  }
0x49: {  	_ =	shalt  }
0x4a: {  	_ =	shalt  }
0x4b: {  	_ =	shalt  }
0x4c: {  	_ =	shalt  }
0x4d: {  	_ =	shalt  }
0x4e: {  	_ =	shalt  }
0x4f: {  	_ =	shalt  }
0x50: {  	_ =	shalt  }
0x51: {  	_ =	shalt  }
0x52: {  	_ =	shalt  }
0x53: {  	_ =	shalt  }
0x54: {  	_ =	shalt  }
0x55: {  	_ =	shalt  }
0x56: {  	_ =	shalt  }
0x57: {  	_ =	shalt  }
0x58: {  	_ =	shalt  }
0x59: {  	_ =	shalt  }
0x5a: {  	_ =	shalt  }
0x5b: {  	_ =	shalt  }
0x5c: {  	_ =	shalt  }
0x5d: {  	_ =	shalt  }
0x5e: {  	_ =	shalt  }
0x5f: {  	_ =	shalt  }
0x60: {  	_ =	shalt  }
0x61: {  	_ =	shalt  }
0x62: {  	_ =	shalt  }
0x63: {  	_ =	shalt  }
0x64: {  	_ =	shalt  }
0x65: {  	_ =	shalt  }
0x66: {  	_ =	shalt  }
0x67: {  	_ =	shalt  }
0x68: {  	_ =	shalt  }
0x69: {  	_ =	shalt  }
0x6a: {  	_ =	shalt  }
0x6b: {  	_ =	shalt  }
0x6c: {  	_ =	shalt  }
0x6d: {  	_ =	shalt  }
0x6e: {  	_ =	shalt  }
0x6f: {  	_ =	shalt  }
0x70: {  	_ =	shalt  }
0x71: {  	_ =	shalt  }
0x72: {  	_ =	shalt  }
0x73: {  	_ =	shalt  }
0x74: {  	_ =	shalt  }
0x75: {  	_ =	shalt  }
0x76: {  	_ =	shalt  }
0x77: {  	_ =	shalt  }
0x78: {  	_ =	shalt  }
0x79: {  	_ =	shalt  }
0x7a: {  	_ =	shalt  }
0x7b: {  	_ =	shalt  }
0x7c: {  	_ =	shalt  }
0x7d: {  	_ =	shalt  }
0x7e: {  	_ =	shalt  }
0x7f: {  	_ =	shalt  }
0x80: {  	_ =	shalt  }
0x81: {  	_ =	shalt  }
0x82: {  	_ =	shalt  }
0x83: {  	_ =	shalt  }
0x84: {  	_ =	shalt  }
0x85: {  	_ =	shalt  }
0x86: {  	_ =	shalt  }
0x87: {  	_ =	shalt  }
.Lfunc_end0:
.L_simem_size_0:
called_computation_lowered:
.L_overlay_start_0:
0x88: {  	s2 =	sld [smem:$0x3FD9]  }
0x89: {  	s3 =	sld [smem:$0x3FFE];
	_ =	sdelay $0x1  }
0x8a: {  	s1 =	srdreg.scid  }
0x8b: {  	s0 =	sand.u32 $0x1, s1  }
0x8c: {  	s17 =	sshll.u32 s0, $0xA;
	s2 =	sadd.s32 s3, s2  }
0x8d: {  	s2 =	sadd.s32 s2, s17  }
0x8e: {  	[smem:$0x3FC1] =	sst s2  }
0x8f: {  	_ = 	snop  }
0x90: {  	s2 =	sld [smem:$0x3FD0];
	(tm) =	ssettm $0x1  }
0x91: {  	s18 =	sld [smem:$0x3FFB];
	_ =	sdelay $0x3  }
0x92: {  	_ =	strace s18  }
0x93: {  	s3 =	sld [smem:$0x3FFC];
	_ =	sdelay $0x3  }
0x94: {  	_ =	strace s3  }
0x95: {  	s3 =	sld [smem:$0x3FFD];
	_ =	sdelay $0x3  }
0x96: {  	_ =	strace s3  }
0x97: {  	_ =	strace $0x8FFFFFFF  }
0x98: {  	s19 =	sld [smem:$0x3FDB];
	_ =	sdelay $0x1  }
0x99: {  	s4 =	simm.s32 $_scs_section_size  }
0x9a: {  	s5 =	simm.s32 $_size__tile_overlayer_lowered;
	s6 =	simm.s32 $_tile_overlayer_lowered  }
0x9b: {  	s22 =	simm.s32 $0x1BFF;
	s21 =	sshll.u32 s6, $0x1;
	s3 =	sadd.s32 s4, s19  }
0x9c: {  	s7 =	simm.s32 $0x0;
	s20 =	sshll.u32 s5, $0x1;
	s5 =	sadd.s32 s21, s3  }
0x9d: {  	[timem:s7], [sflag:s22] =	dma.local [hbm:s5], s20  }
0x9e: {  	_ =	swait.ge [sflag:s22], s20  }
0x9f: {  	s4 =	ssub.s32 $0x0, s20;
	[sflag:s22] =	ssyncset.done $0x0  }
0xa0: {  	[sflag:s22] =	ssyncadd.s32 s4;
	_ =	sdelay $0x1  }
0xa1: {  	s23 =	simm.s32 $0x1B8B  }
0xa2: {  	_ =	swait.ge [sflag:s23], $0x1  }
0xa3: {  	[sflag:s23] =	ssyncset.done $0x0  }
0xa4: {  	s25 =	simm.s32 $0x1B8E;
	s24 =	sld [smem:$0x3FFE];
	[sflag:s23] =	ssyncadd.s32 $0xFFFFFFFF  }
0xa5: {  	s26 =	simm.s32 $execute0_lowered;
	[smem:$0x3FD2] =	sst s25  }
0xa6: {  	s5 =	sshll.u32 s26, $0x1;
	_ =	strace $0x80000046;
	[dreg:$0x1] =	wrdreg $0xFFFFFFFF  }
0xa7: {  	s28 =	simm.s32 $_size_execute0_lowered;
	s3 =	sadd.s32 s3, s5;
	[dreg:$0x0] =	wrdreg $0x0  }
0xa8: {  	s5 =	sshll.u32 s28, $0x1;
	[dreg:$0x2] =	wrdreg s3  }
0xa9: {  	[dreg:$0x3] =	wrdreg s5  }
0xaa: {  	[dreg:$0x4] =	wrdreg $0xC0  }
0xab: {  	_ =	task [dreg:s7], $0x5FFFF  }
0xac: {  	[dreg:$0x1] =	wrdreg $0xFFFFFFFF  }
0xad: {  	[dreg:$0x0] =	wrdreg $0x60  }
0xae: {  	[dreg:$0x2] =	wrdreg s24  }
0xaf: {  	[dreg:$0x3] =	wrdreg s2  }
0xb0: {  	[dreg:$0x4] =	wrdreg $0x9  }
0xb1: {  	_ =	task.clear_ibuf [dreg:s7], $0x5FFFF;
	_ =	strace $0x90000046  }
0xb2: {  	s29 =	simm.s32 $0x9;
	_ =	strace $0x80000048  }
0xb3: {  	_ =	swait.ge [sflag:s29], $0x1  }
0xb4: {  	[sflag:s29] =	ssyncadd.s32 $0xFFFFFFFF  }
0xb5: {  	_ =	strace $0x90000048  }
0xb6: {  	_ =	sfence  }
0xb7: {  	s30 =	sld [smem:$0x0];
	_ =	sdelay $0x2  }
0xb8: {  	s31 =	sshll.u32 s1, $0xD;
	s1 =	sshrl.u32 s1, $0x2  }
0xb9: {  	s3 =	sand.u32 $0x4000, s31;
	s1 =	sadd.s32 s1, s30  }
0xba: {  	s0 =	sor.u32 s3, s0;
	s1 =	sshll.u32 s1, $0x11  }
0xbb: {  	s0 =	sor.u32 s1, s0  }
0xbc: {  	s0 =	sadd.s32 $0x8F2B, s0  }
0xbd: {  	[sflag:s0] =	ssyncadd.remote.s32 $0x1  }
0xbe: {  	_ =	sfence.sel $0xFFFF  }
0xbf: {  	[dreg:$0x0] =	wrdreg $0xFFFFFFFF;
	(pc) =	sbr.abs _section_cstart, $3  }
0xc0: {  	[dreg:$0x1] =	wrdreg $0xFFFFFFFF  }
0xc1: {  	_ =	task.clear_ibuf [dreg:s7], $0x2FFFF;
	_ =	strace $0x9FFFFFFF  }
0xc2: {  	(tm) =	ssettm $0x7FFFFFFF  }
0xc3: {  	_ =	shalt  }
tec
execute0_lowered:
.L_overlay_start_1:
0x0: {  	(tag) =	ssettag $0x1  }
0x1: {  	s0 =	rddreg [dreg:$0x0];
	s1 =	srdreg.scid  }
0x2: {  	s11 =	stileid.u32;
	s9 =	rddreg [dreg:$0x1];
	s2 =	simm.s32 $0x0  }
0x3: {  	s13 =	simm.s32 $0xAB80;
	s14 =	simm.s32 $0xB380;
	s15 =	simm.s32 $0xBB80  }
0x4: {  	s16 =	simm.s32 $0xC380;
	s17 =	simm.s32 $0xCB80;
	[smem:$0x7FF] =	sst s2  }
0x5: {  	s18 =	simm.s32 $0xD380;
	_ =	strace $0x80000047;
	[dreg:$0x7] =	wrdreg s13  }
0x6: {  	s19 =	simm.s32 $0xDB80;
	s20 =	simm.s32 $0xEB80;
	[dreg:$0x8] =	wrdreg s14  }
0x7: {  	s21 =	simm.s32 $0xF380;
	s22 =	simm.s32 $0xFB80;
	[dreg:$0x9] =	wrdreg s15  }
0x8: {  	s28 =	simm.s32 $0x1;
	s29 =	simm.s32 $0xE380;
	[dreg:$0xa] =	wrdreg s16  }
0x9: {  	s30 =	simm.s32 $0x2;
	s31 =	simm.s32 $0x3;
	[dreg:$0xb] =	wrdreg s17  }
0xa: {  	s1 =	sand.u32 $0x1, s1;
	s6 =	smul.u32 $0x238000, s11;
	[dreg:$0xc] =	wrdreg s18  }
0xb: {  	s3 =	sshll.u32 s11, $0x1;
	s11 =	smul.u32 $0x11C0000, s11;
	[dreg:$0xd] =	wrdreg s19  }
0xc: {  	s3 =	sor.u32 s1, s3;
	s8 =	smul.u32 $0x11C000, s1;
	[dreg:$0xe] =	wrdreg s20  }
0xd: {  	s5 =	ssub.s32 $0x2, s1;
	s1 =	smul.u32 $0x8E0000, s1;
	[dreg:$0xf] =	wrdreg s21  }
0xe: {  	s18 =	simm.s32 $0x6380;
	[dreg:$0x10] =	wrdreg s22;
	s20 =	simm.s32 $0x7380  }
0xf: {  	s21 =	simm.s32 $0x7B80;
	s22 =	simm.s32 $0x8380;
	s13 =	simm.s32 $0x8  }
0x10: {  	s14 =	simm.s32 $0x0;
	s4 =	smul.u32 $0x470, s3;
	s3 =	sadd.s32 $0x9C00, s0  }
0x11: {  	s7 =	sshrl.u32 s5, $0x1;
	s23 =	sadd.s32 s6, s9;
	s6 =	sadd.s32 $0x9E00, s0  }
0x12: {  	s10 =	ssub.s32 s5, s7;
	s5 =	sadd.s32 $0x9D00, s0;
	s8 =	sadd.s32 s8, s23  }
0x13: {  	s7 =	sadd.s32 $0x9F00, s0;
	s1 =	sadd.s32 s1, s11;
	s23 =	simm.s32 $0x10380  }
0x14: {  	s4 =	sadd.s32 s4, s0;
	s24 =	sadd.s32 $0x800, s8;
	s25 =	sshrl.u32 s1, $0x3  }
0x15: {  	s26 =	sor.u32 $0xC000, s1;
	s1 =	sor.u32 $0x8000, s1;
	[dreg:$0x11] =	wrdreg s23  }
0x16: {  	s23 =	simm.s32 $0x8B80;
	s4 =	sadd.s32 $0xE00, s4;
	[dreg:$0x3] =	wrdreg s24  }
0x17: {  	s0 =	sadd.s32 s25, s9;
	s8 =	sshrl.u32 s26, $0x3;
	s1 =	sshrl.u32 s1, $0x3  }
0x18: {  	s24 =	simm.s32 $0x10B80;
	s25 =	simm.s32 $0x11380;
	s26 =	simm.s32 $0x11B80  }
0x19: {  	[dreg:$0x4] =	wrdreg s0;
	s11 =	sadd.s32 s8, s9;
	s8 =	smax.u32 s10, $0x1  }
0x1a: {  	s12 =	sadd.s32 s1, s9;
	s9 =	simm.s32 $0x9;
	[dreg:$0x12] =	wrdreg s24  }
0x1b: {  	s10 =	simm.s32 $0x2380;
	[dreg:$0x13] =	wrdreg s25;
	s24 =	simm.s32 $0x9380  }
0x1c: {  	v2 =	vlaneseq.u32;
	[dreg:$0x14] =	wrdreg s26;
	s25 =	simm.s32 $0x9B80;
	s26 =	simm.s32 $0xA380  }
0x1d: {  	vm0 =	vmmov $0xffff;
	v1 =	vshrl.u32 v2, $0x3;
	s1 =	simm.s32 $0x4;
	s0 =	simm.s32 $0x5;
	[dreg:$0x5] =	wrdreg s11  }
0x1e: {  	v0 =	vand.u32 $0x7, v2;
	v2 =	vor.u32 $0x8, v2;
	v1 =	vmul.u32 $0x8, v1;
	[dreg:$0x6] =	wrdreg s12;
	s11 =	simm.s32 $0x6;
	s12 =	simm.s32 $0x7  }
.LBB2_1:
0x1f: {  	[tilespmem:s2], [sflag:$0x9] =	stream.linear.gather [hbm4b:s4+s2], $0x2380, $0x38;
	[tilespmem:$0x12380] =	vst v63  }
0x20: {  	_ =	swait.ge [sflag:s9], $0x2380  }
0x21: {  	[sflag:s9] =	ssyncset.done $0x0  }
0x22: {  	[sflag:s9] =	ssyncadd.s32 $0xFFFFDC80  }
0x23: {  	v3 =	vld [tilespmem:$0x0];
	_ =	sdelay $0x4  }
0x24: {  	v4 =	vshll.u32 v3, $0x3  }
0x25: {  	v3 =	vand.u32 $0x7, v3;
	v4 =	vand.u32 $0xFFFFFFC0, v4  }
0x26: {  	v3 =	vor.u32 v3, v4  }
0x27: {  	v4 =	vperm.xlane v3, v0;
	_ =	sdelay $0x1  }
0x28: {  	v4 =	vadd.s32 v1, v4;
	_ =	sdelay $0x4  }
0x29: {  	[tilespmem:s10], [sflag:$0x1] =	stream.indirect_vreg.gather [hbm4b:s3+s2], $0x80, v4, vm0, $0xb8;
	[tilespmem:$0x12380] =	vst v63  }
0x2a: {  	s15 =	simm.s32 $0x2B80;
	v3 =	vperm.xlane v3, v2  }
0x2b: {  	[tilespmem:s15], [sflag:$0x1] =	stream.indirect_vreg.gather [hbm4b:s5+s2], $0x80, v4, vm0, $0xb8;
	[tilespmem:$0x12380] =	vst v63  }
0x2c: {  	s19 =	simm.s32 $0x3380;
	v3 =	vadd.s32 v1, v3  }
0x2d: {  	[tilespmem:s19], [sflag:$0x1] =	stream.indirect_vreg.gather [hbm4b:s6+s2], $0x80, v4, vm0, $0xb8;
	[tilespmem:$0x12380] =	vst v63  }
0x2e: {  	s16 =	simm.s32 $0x3B80  }
0x2f: {  	[tilespmem:s16], [sflag:$0x1] =	stream.indirect_vreg.gather [hbm4b:s7+s2], $0x80, v4, vm0, $0xb8;
	[tilespmem:$0x12380] =	vst v63  }
0x30: {  	s17 =	simm.s32 $0x4380  }
0x31: {  	[tilespmem:s17], [sflag:$0x1] =	stream.indirect_vreg.gather [hbm4b:s3+s2], $0x80, v3, vm0, $0xb8;
	[tilespmem:$0x12380] =	vst v63  }
0x32: {  	s19 =	simm.s32 $0x4B80  }
0x33: {  	[tilespmem:s19], [sflag:$0x1] =	stream.indirect_vreg.gather [hbm4b:s5+s2], $0x80, v3, vm0, $0xb8;
	[tilespmem:$0x12380] =	vst v63  }
0x34: {  	s16 =	simm.s32 $0x5380  }
0x35: {  	[tilespmem:s16], [sflag:$0x1] =	stream.indirect_vreg.gather [hbm4b:s6+s2], $0x80, v3, vm0, $0xb8;
	[tilespmem:$0x12380] =	vst v63  }
0x36: {  	s17 =	simm.s32 $0x5B80  }
0x37: {  	[tilespmem:s17], [sflag:$0x1] =	stream.indirect_vreg.gather [hbm4b:s7+s2], $0x80, v3, vm0, $0xb8;
	[tilespmem:$0x12380] =	vst v63  }
0x38: {  	v3 =	vld [tilespmem:$0x10];
	_ =	sdelay $0x4  }
0x39: {  	v63 =	vshll.u32 v3, $0x3  }
0x3a: {  	v3 =	vand.u32 $0x7, v3;
	v4 =	vand.u32 $0xFFFFFFC0, v63  }
0x3b: {  	v3 =	vor.u32 v3, v4  }
0x3c: {  	v4 =	vperm.xlane v3, v0;
	_ =	sdelay $0x1  }
0x3d: {  	v4 =	vadd.s32 v1, v4;
	_ =	sdelay $0x4  }
0x3e: {  	[tilespmem:s18], [sflag:$0x2] =	stream.indirect_vreg.gather [hbm4b:s3+s2], $0x80, v4, vm0, $0xb8;
	[tilespmem:$0x12380] =	vst v63  }
0x3f: {  	s19 =	simm.s32 $0x6B80;
	v3 =	vperm.xlane v3, v2  }
0x40: {  	[tilespmem:s19], [sflag:$0x2] =	stream.indirect_vreg.gather [hbm4b:s5+s2], $0x80, v4, vm0, $0xb8;
	[tilespmem:$0x12380] =	vst v63  }
0x41: {  	v3 =	vadd.s32 v1, v3  }
0x42: {  	[tilespmem:s20], [sflag:$0x2] =	stream.indirect_vreg.gather [hbm4b:s6+s2], $0x80, v4, vm0, $0xb8;
	[tilespmem:$0x12380] =	vst v63  }
0x43: {  	_ = 	snop  }
0x44: {  	[tilespmem:s21], [sflag:$0x2] =	stream.indirect_vreg.gather [hbm4b:s7+s2], $0x80, v4, vm0, $0xb8;
	[tilespmem:$0x12380] =	vst v63  }
0x45: {  	_ = 	snop  }
0x46: {  	[tilespmem:s22], [sflag:$0x2] =	stream.indirect_vreg.gather [hbm4b:s3+s2], $0x80, v3, vm0, $0xb8;
	[tilespmem:$0x12380] =	vst v63  }
0x47: {  	_ = 	snop  }
0x48: {  	[tilespmem:s23], [sflag:$0x2] =	stream.indirect_vreg.gather [hbm4b:s5+s2], $0x80, v3, vm0, $0xb8;
	[tilespmem:$0x12380] =	vst v63  }
0x49: {  	_ = 	snop  }
0x4a: {  	[tilespmem:s24], [sflag:$0x2] =	stream.indirect_vreg.gather [hbm4b:s6+s2], $0x80, v3, vm0, $0xb8;
	[tilespmem:$0x12380] =	vst v63  }
0x4b: {  	s15 =	simm.s32 $0x30;
	s16 =	simm.s32 $0x0  }
0x4c: {  	[tilespmem:s25], [sflag:$0x2] =	stream.indirect_vreg.gather [hbm4b:s7+s2], $0x80, v3, vm0, $0xb8;
	[tilespmem:$0x12380] =	vst v63  }
.LBB2_2:
0x4d: {  	p0 =	seq.s32 s16, $0x0  }
0x4e: {  	s17 =	simm.s32 @!p0 $0x7  }
0x4f: {  	_ =	swait.ge @!p0 [sflag:s17], $0x4000  }
0x50: {  	[sflag:s17] =	ssyncset.done @!p0 $0x0  }
0x51: {  	[sflag:s17] =	ssyncadd.s32 @!p0 $0xFFFFC000  }
0x52: {  	v3 =	vld [tilespmem:s15+$0xFFFFFFF0];
	_ =	sdelay $0x4  }
0x53: {  	v4 =	vshll.u32 v3, $0x3  }
0x54: {  	v3 =	vand.u32 $0x7, v3;
	v4 =	vand.u32 $0xFFFFFFC0, v4  }
0x55: {  	v3 =	vor.u32 v3, v4  }
0x56: {  	v4 =	vperm.xlane v3, v0;
	_ =	sdelay $0x1  }
0x57: {  	v4 =	vadd.s32 v1, v4;
	_ =	sdelay $0x4  }
0x58: {  	[tilespmem:s26], [sflag:$0x3] =	stream.indirect_vreg.gather [hbm4b:s3+s2], $0x80, v4, vm0, $0xb8;
	[tilespmem:$0x12380] =	vst v63  }
0x59: {  	s17 =	rddreg [dreg:$0x7];
	v3 =	vperm.xlane v3, v2  }
0x5a: {  	[tilespmem:s17], [sflag:$0x3] =	stream.indirect_vreg.gather [hbm4b:s5+s2], $0x80, v4, vm0, $0xb8;
	[tilespmem:$0x12380] =	vst v63  }
0x5b: {  	s19 =	rddreg [dreg:$0x8];
	v3 =	vadd.s32 v1, v3  }
0x5c: {  	[tilespmem:s19], [sflag:$0x3] =	stream.indirect_vreg.gather [hbm4b:s6+s2], $0x80, v4, vm0, $0xb8;
	[tilespmem:$0x12380] =	vst v63  }
0x5d: {  	s17 =	rddreg [dreg:$0x9]  }
0x5e: {  	[tilespmem:s17], [sflag:$0x3] =	stream.indirect_vreg.gather [hbm4b:s7+s2], $0x80, v4, vm0, $0xb8;
	[tilespmem:$0x12380] =	vst v63  }
0x5f: {  	s19 =	rddreg [dreg:$0xa]  }
0x60: {  	[tilespmem:s19], [sflag:$0x3] =	stream.indirect_vreg.gather [hbm4b:s3+s2], $0x80, v3, vm0, $0xb8;
	[tilespmem:$0x12380] =	vst v63  }
0x61: {  	s17 =	rddreg [dreg:$0xb]  }
0x62: {  	[tilespmem:s17], [sflag:$0x3] =	stream.indirect_vreg.gather [hbm4b:s5+s2], $0x80, v3, vm0, $0xb8;
	[tilespmem:$0x12380] =	vst v63  }
0x63: {  	s19 =	rddreg [dreg:$0xc]  }
0x64: {  	[tilespmem:s19], [sflag:$0x3] =	stream.indirect_vreg.gather [hbm4b:s6+s2], $0x80, v3, vm0, $0xb8;
	[tilespmem:$0x12380] =	vst v63  }
0x65: {  	s17 =	rddreg [dreg:$0xd]  }
0x66: {  	[tilespmem:s17], [sflag:$0x3] =	stream.indirect_vreg.gather [hbm4b:s7+s2], $0x80, v3, vm0, $0xb8;
	[tilespmem:$0x12380] =	vst v63  }
0x67: {  	_ =	swait.ge [sflag:s28], $0x4000  }
0x68: {  	s19 =	rddreg [dreg:$0x4];
	[sflag:s28] =	ssyncset.done $0x0  }
0x69: {  	[sflag:s28] =	ssyncadd.s32 $0xFFFFC000;
	s17 =	sadd.s32 s16, s19  }
0x6a: {  	[hbm4b:s17+s2] =	stream.linear.scatter [tilespmem:s10], [sflag:$0x5], $0x4000, $0x38;
	[tilespmem:$0x12380] =	vst v63  }
0x6b: {  	s17 =	simm.s32 @!p0 $0x8  }
0x6c: {  	_ =	swait.ge @!p0 [sflag:s17], $0x4000  }
0x6d: {  	[sflag:s17] =	ssyncset.done @!p0 $0x0  }
0x6e: {  	[sflag:s17] =	ssyncadd.s32 @!p0 $0xFFFFC000  }
0x6f: {  	v3 =	vld [tilespmem:s15+$0x0];
	_ =	sdelay $0x4  }
0x70: {  	v63 =	vshll.u32 v3, $0x3  }
0x71: {  	v3 =	vand.u32 $0x7, v3;
	v4 =	vand.u32 $0xFFFFFFC0, v63  }
0x72: {  	v3 =	vor.u32 v3, v4  }
0x73: {  	v4 =	vperm.xlane v3, v0;
	_ =	sdelay $0x1  }
0x74: {  	v4 =	vadd.s32 v1, v4;
	_ =	sdelay $0x4  }
0x75: {  	[tilespmem:s29], [sflag:$0x4] =	stream.indirect_vreg.gather [hbm4b:s3+s2], $0x80, v4, vm0, $0xb8;
	[tilespmem:$0x12380] =	vst v63  }
0x76: {  	s17 =	rddreg [dreg:$0xe];
	v3 =	vperm.xlane v3, v2  }
0x77: {  	[tilespmem:s17], [sflag:$0x4] =	stream.indirect_vreg.gather [hbm4b:s5+s2], $0x80, v4, vm0, $0xb8;
	[tilespmem:$0x12380] =	vst v63  }
0x78: {  	s19 =	rddreg [dreg:$0xf];
	v3 =	vadd.s32 v1, v3  }
0x79: {  	[tilespmem:s19], [sflag:$0x4] =	stream.indirect_vreg.gather [hbm4b:s6+s2], $0x80, v4, vm0, $0xb8;
	[tilespmem:$0x12380] =	vst v63  }
0x7a: {  	s17 =	rddreg [dreg:$0x10]  }
0x7b: {  	[tilespmem:s17], [sflag:$0x4] =	stream.indirect_vreg.gather [hbm4b:s7+s2], $0x80, v4, vm0, $0xb8;
	[tilespmem:$0x12380] =	vst v63  }
0x7c: {  	s19 =	rddreg [dreg:$0x11]  }
0x7d: {  	[tilespmem:s19], [sflag:$0x4] =	stream.indirect_vreg.gather [hbm4b:s3+s2], $0x80, v3, vm0, $0xb8;
	[tilespmem:$0x12380] =	vst v63  }
0x7e: {  	s17 =	rddreg [dreg:$0x12]  }
0x7f: {  	[tilespmem:s17], [sflag:$0x4] =	stream.indirect_vreg.gather [hbm4b:s5+s2], $0x80, v3, vm0, $0xb8;
	[tilespmem:$0x12380] =	vst v63  }
0x80: {  	s19 =	rddreg [dreg:$0x13]  }
0x81: {  	[tilespmem:s19], [sflag:$0x4] =	stream.indirect_vreg.gather [hbm4b:s6+s2], $0x80, v3, vm0, $0xb8;
	[tilespmem:$0x12380] =	vst v63  }
0x82: {  	s17 =	rddreg [dreg:$0x14]  }
0x83: {  	[tilespmem:s17], [sflag:$0x4] =	stream.indirect_vreg.gather [hbm4b:s7+s2], $0x80, v3, vm0, $0xb8;
	[tilespmem:$0x12380] =	vst v63  }
0x84: {  	_ =	swait.ge [sflag:s30], $0x4000  }
0x85: {  	s19 =	rddreg [dreg:$0x3];
	[sflag:s30] =	ssyncset.done $0x0  }
0x86: {  	p0 =	seq.s32 s16, $0x11A000;
	[sflag:s30] =	ssyncadd.s32 $0xFFFFC000;
	s17 =	sadd.s32 s16, s19  }
0x87: {  	[hbm4b:s17+s2] =	stream.linear.scatter [tilespmem:s18], [sflag:$0x6], $0x4000, $0x38;
	[tilespmem:$0x12380] =	vst v63  }
0x88: {  	s17 =	simm.s32 @!p0 $0x5  }
0x89: {  	_ =	swait.ge @!p0 [sflag:s17], $0x4000  }
0x8a: {  	[sflag:s17] =	ssyncset.done @!p0 $0x0  }
0x8b: {  	[sflag:s17] =	ssyncadd.s32 @!p0 $0xFFFFC000  }
0x8c: {  	v3 =	vld @!p0 [tilespmem:s15+$0x10];
	_ =	sdelay $0x4  }
0x8d: {  	v4 =	vshll.u32 @!p0 v3, $0x3  }
0x8e: {  	v5 =	vlaneseq.u32 @!p0;
	v3 =	vand.u32 @!p0 $0x7, v3;
	v4 =	vand.u32 @!p0 $0xFFFFFFC0, v4  }
0x8f: {  	v6 =	vshrl.u32 @!p0 v5, $0x3;
	v3 =	vor.u32 @!p0 v3, v4;
	v4 =	vand.u32 @!p0 $0x7, v5  }
0x90: {  	v6 =	vmul.u32 @!p0 $0x8, v6;
	v7 =	vperm.xlane @!p0 v3, v4;
	_ =	sdelay $0x1  }
0x91: {  	v7 =	vadd.s32 @!p0 v6, v7;
	_ =	sdelay $0x3  }
0x92: {  	vm1 =	vmmov @!p0 $0xffff;
	s19 =	simm.s32 @!p0 $0x2380;
	s17 =	simm.s32 @!p0 $0x0  }
0x93: {  	v5 =	vor.u32 @!p0 $0x8, v5;
	[tilespmem:s19], [sflag:$0x1] =	stream.indirect_vreg.gather @!p0 [hbm4b:s3+s17], $0x80, v7, vm1, $0xb8;
	[tilespmem:$0x12380] =	vst v63  }
0x94: {  	v3 =	vperm.xlane @!p0 v3, v5;
	s19 =	simm.s32 @!p0 $0x2B80  }
0x95: {  	[tilespmem:s19], [sflag:$0x1] =	stream.indirect_vreg.gather @!p0 [hbm4b:s5+s17], $0x80, v7, vm1, $0xb8;
	[tilespmem:$0x12380] =	vst v63  }
0x96: {  	v3 =	vadd.s32 @!p0 v6, v3;
	s19 =	simm.s32 @!p0 $0x3380  }
0x97: {  	[tilespmem:s19], [sflag:$0x1] =	stream.indirect_vreg.gather @!p0 [hbm4b:s6+s17], $0x80, v7, vm1, $0xb8;
	[tilespmem:$0x12380] =	vst v63  }
0x98: {  	s19 =	simm.s32 @!p0 $0x3B80  }
0x99: {  	[tilespmem:s19], [sflag:$0x1] =	stream.indirect_vreg.gather @!p0 [hbm4b:s7+s17], $0x80, v7, vm1, $0xb8;
	[tilespmem:$0x12380] =	vst v63  }
0x9a: {  	s19 =	simm.s32 @!p0 $0x4380  }
0x9b: {  	[tilespmem:s19], [sflag:$0x1] =	stream.indirect_vreg.gather @!p0 [hbm4b:s3+s17], $0x80, v3, vm1, $0xb8;
	[tilespmem:$0x12380] =	vst v63  }
0x9c: {  	s19 =	simm.s32 @!p0 $0x4B80  }
0x9d: {  	[tilespmem:s19], [sflag:$0x1] =	stream.indirect_vreg.gather @!p0 [hbm4b:s5+s17], $0x80, v3, vm1, $0xb8;
	[tilespmem:$0x12380] =	vst v63  }
0x9e: {  	s19 =	simm.s32 @!p0 $0x5380  }
0x9f: {  	[tilespmem:s19], [sflag:$0x1] =	stream.indirect_vreg.gather @!p0 [hbm4b:s6+s17], $0x80, v3, vm1, $0xb8;
	[tilespmem:$0x12380] =	vst v63  }
0xa0: {  	s19 =	simm.s32 @!p0 $0x5B80  }
0xa1: {  	[tilespmem:s19], [sflag:$0x1] =	stream.indirect_vreg.gather @!p0 [hbm4b:s7+s17], $0x80, v3, vm1, $0xb8;
	[tilespmem:$0x12380] =	vst v63  }
0xa2: {  	_ =	swait.ge [sflag:s31], $0x4000  }
0xa3: {  	s19 =	rddreg [dreg:$0x6];
	[sflag:s31] =	ssyncset.done $0x0  }
0xa4: {  	[sflag:s31] =	ssyncadd.s32 $0xFFFFC000;
	s19 =	sadd.s32 s16, s19  }
0xa5: {  	[hbm4b:s19+s2] =	stream.linear.scatter [tilespmem:s26], [sflag:$0x7], $0x4000, $0x38;
	[tilespmem:$0x12380] =	vst v63  }
0xa6: {  	s19 =	simm.s32 @!p0 $0x6  }
0xa7: {  	_ =	swait.ge @!p0 [sflag:s19], $0x4000  }
0xa8: {  	[sflag:s19] =	ssyncset.done @!p0 $0x0  }
0xa9: {  	[sflag:s19] =	ssyncadd.s32 @!p0 $0xFFFFC000  }
0xaa: {  	v3 =	vld @!p0 [tilespmem:s15+$0x20];
	_ =	sdelay $0x4  }
0xab: {  	v7 =	vshll.u32 @!p0 v3, $0x3  }
0xac: {  	v3 =	vand.u32 @!p0 $0x7, v3;
	v7 =	vand.u32 @!p0 $0xFFFFFFC0, v7  }
0xad: {  	v3 =	vor.u32 @!p0 v3, v7  }
0xae: {  	v4 =	vperm.xlane @!p0 v3, v4;
	_ =	sdelay $0x1  }
0xaf: {  	v4 =	vadd.s32 @!p0 v6, v4;
	_ =	sdelay $0x3  }
0xb0: {  	s19 =	simm.s32 @!p0 $0x6380  }
0xb1: {  	[tilespmem:s19], [sflag:$0x2] =	stream.indirect_vreg.gather @!p0 [hbm4b:s3+s17], $0x80, v4, vm1, $0xb8;
	[tilespmem:$0x12380] =	vst v63  }
0xb2: {  	v3 =	vperm.xlane @!p0 v3, v5;
	s19 =	simm.s32 @!p0 $0x6B80  }
0xb3: {  	[tilespmem:s19], [sflag:$0x2] =	stream.indirect_vreg.gather @!p0 [hbm4b:s5+s17], $0x80, v4, vm1, $0xb8;
	[tilespmem:$0x12380] =	vst v63  }
0xb4: {  	v3 =	vadd.s32 @!p0 v6, v3;
	s19 =	simm.s32 @!p0 $0x7380  }
0xb5: {  	[tilespmem:s19], [sflag:$0x2] =	stream.indirect_vreg.gather @!p0 [hbm4b:s6+s17], $0x80, v4, vm1, $0xb8;
	[tilespmem:$0x12380] =	vst v63  }
0xb6: {  	s19 =	simm.s32 @!p0 $0x7B80  }
0xb7: {  	[tilespmem:s19], [sflag:$0x2] =	stream.indirect_vreg.gather @!p0 [hbm4b:s7+s17], $0x80, v4, vm1, $0xb8;
	[tilespmem:$0x12380] =	vst v63  }
0xb8: {  	s19 =	simm.s32 @!p0 $0x8380  }
0xb9: {  	[tilespmem:s19], [sflag:$0x2] =	stream.indirect_vreg.gather @!p0 [hbm4b:s3+s17], $0x80, v3, vm1, $0xb8;
	[tilespmem:$0x12380] =	vst v63  }
0xba: {  	s19 =	simm.s32 @!p0 $0x8B80  }
0xbb: {  	[tilespmem:s19], [sflag:$0x2] =	stream.indirect_vreg.gather @!p0 [hbm4b:s5+s17], $0x80, v3, vm1, $0xb8;
	[tilespmem:$0x12380] =	vst v63  }
0xbc: {  	s19 =	simm.s32 @!p0 $0x9380  }
0xbd: {  	[tilespmem:s19], [sflag:$0x2] =	stream.indirect_vreg.gather @!p0 [hbm4b:s6+s17], $0x80, v3, vm1, $0xb8;
	[tilespmem:$0x12380] =	vst v63  }
0xbe: {  	s19 =	simm.s32 @!p0 $0x9B80  }
0xbf: {  	[tilespmem:s19], [sflag:$0x2] =	stream.indirect_vreg.gather @!p0 [hbm4b:s7+s17], $0x80, v3, vm1, $0xb8;
	[tilespmem:$0x12380] =	vst v63  }
0xc0: {  	_ =	swait.ge [sflag:s1], $0x4000  }
0xc1: {  	s19 =	rddreg [dreg:$0x5]  }
0xc2: {  	s17 =	sadd.s32 s16, s19;
	s16 =	sadd.s32 $0x2000, s16  }
0xc3: {  	p0 =	sne.s32 s16, $0x11C000  }
.Ltmp0:
0xc4: {  	_ = 	snop;
	(pc) =	sbr.rel @p0 .LBB2_2-.Ltmp0, $4  }
0xc5: {  	_ = 	snop  }
0xc6: {  	[sflag:s1] =	ssyncset.done $0x0  }
0xc7: {  	s15 =	sadd.s32 $0x40, s15;
	[sflag:s1] =	ssyncadd.s32 $0xFFFFC000  }
0xc8: {  	[hbm4b:s17+s2] =	stream.linear.scatter [tilespmem:s29], [sflag:$0x8], $0x4000, $0x38;
	[tilespmem:$0x12380] =	vst v63  }
0xc9: {  	_ =	swait.ge [sflag:s0], $0x4000  }
0xca: {  	[sflag:s0] =	ssyncset.done $0x0  }
0xcb: {  	[sflag:s0] =	ssyncadd.s32 $0xFFFFC000  }
0xcc: {  	_ =	swait.ge [sflag:s11], $0x4000  }
0xcd: {  	[sflag:s11] =	ssyncset.done $0x0  }
0xce: {  	s14 =	sadd.s32 $0x1, s14;
	[sflag:s11] =	ssyncadd.s32 $0xFFFFC000  }
0xcf: {  	p0 =	sne.s32 s14, s8;
	_ =	swait.ge [sflag:s12], $0x4000  }
.Ltmp1:
0xd0: {  	[sflag:s12] =	ssyncset.done $0x0;
	(pc) =	sbr.rel @p0 .LBB2_1-.Ltmp1, $4  }
0xd1: {  	[sflag:s12] =	ssyncadd.s32 $0xFFFFC000  }
0xd2: {  	_ =	swait.ge [sflag:s13], $0x4000  }
0xd3: {  	[sflag:s13] =	ssyncset.done $0x0  }
0xd4: {  	[sflag:s13] =	ssyncadd.s32 $0xFFFFC000  }
0xd5: {  	_ =	sfence.sel $0x180000  }
0xd6: {  	[bflag:$0x0] =	sbarrier.arrive $0xFFFF  }
0xd7: {  	_ =	strace $0x90000047  }
0xd8: {  	s0 =	stileid.u32;
	[bflag:$0x2] =	sbarrier.arrive $0xFFFF  }
0xd9: {  	p0 =	sne.s32 s0, $0x0;
	s0 =	rddreg [dreg:$0x2]  }
0xda: {  	s0 =	sadd.s32 @!p0 $0x100000, s0  }
0xdb: {  	[sflag:s0] =	ssyncadd.tile.s32 @!p0 $0x1;
	_ =	shalt  }
.Lfunc_end2:
_tile_overlayer_lowered:
.L_overlay_start_2:
0xdc: {  	(tag) =	ssettag $0x2  }
0xdd: {  	s0 =	rddreg [dreg:$0x0];
	s2 =	stileid.u32  }
0xde: {  	s1 =	rddreg [dreg:$0x1];
	p0 =	sne.s32 s2, $0x0  }
0xdf: {  	s3 =	rddreg [dreg:$0x2];
	[bflag:$0x3] =	sbarrier.arrive $0xFFFF;
	s2 =	simm.s32 @!p0 $0x1C09  }
0xe0: {  	[timem:s3], [sflag:s2] =	dma.local @!p0 [hbm:s0], s1  }
0xe1: {  	s0 =	simm.s32 @!p0 $0x9  }
0xe2: {  	_ =	swait.ge @!p0 [sflag:s0], s1  }
0xe3: {  	s1 =	ssub.s32 @!p0 $0x0, s1;
	[sflag:s0] =	ssyncset.done @!p0 $0x0  }
0xe4: {  	[sflag:s0] =	ssyncadd.s32 @!p0 s1  }
0xe5: {  	[bflag:$0x3] =	sbarrier.arrive $0xFFFF  }
0xe6: {  	_ =	shalt  }

</sc_bundles>
